<compile_context>
chip_gen: v7x
topology: tpu7x:2x2x1
jax: 0.10.2.dev20260603
libtpu: 0.0.44.dev20260713+nightly
codegen_flags: <defaults>
</compile_context>

<pallas_src>
import functools

import jax
import jax.numpy as jnp
from jax import lax
from jax.experimental import pallas as pl
from jax.experimental.pallas import tpu as pltpu
from jax.experimental.pallas import tpu_sc as plsc

EPS = 0.0001
LN_EPS = 1e-5


def _softplus(v):
    return jnp.maximum(v, 0.0) + jnp.log1p(jnp.exp(-jnp.abs(v)))


def _layer_norm(v, w, b):
    mu = jnp.mean(v, axis=-1, keepdims=True)
    d = v - mu
    var = jnp.mean(d * d, axis=-1, keepdims=True)
    return d * lax.rsqrt(var + LN_EPS) * w + b



def _pre_body(x_ref, wfc, bfc, wrate, wrb1, brb1, wrb2, brb2, lnw, lnb,
              xf_ref, rate_ref, gamma_ref):
    xb = x_ref[...]
    xf_ref[...] = jnp.dot(xb, wfc[...], preferred_element_type=jnp.float32) + bfc[...]
    rate_ref[...] = _softplus(
        jnp.dot(xb, wrate[...], preferred_element_type=jnp.float32))
    h = _softplus(
        jnp.dot(xb, wrb1[...], preferred_element_type=jnp.float32) + brb1[...])
    g = jnp.dot(h, wrb2[...], preferred_element_type=jnp.float32) + brb2[...]
    gamma_ref[...] = _layer_norm(g, lnw[...], lnb[...])


def _dense_pre(x, wfc_t, bfc, wrate_t, wrb1_t, brb1, wrb2_t, brb2, lnw, lnb):
    n, d = x.shape
    blk = 1000
    grid = (n // blk,)
    row_spec = pl.BlockSpec((blk, d), lambda i: (i, 0))
    full = pl.BlockSpec((d, d), lambda i: (0, 0))
    vec = pl.BlockSpec((1, d), lambda i: (0, 0))
    out_sds = jax.ShapeDtypeStruct((n, d), jnp.float32)
    return pl.pallas_call(
        _pre_body,
        grid=grid,
        in_specs=[row_spec, full, vec, full, full, vec, full, vec, vec, vec],
        out_specs=[row_spec, row_spec, row_spec],
        out_shape=[out_sds, out_sds, out_sds],
    )(x, wfc_t, bfc, wrate_t, wrb1_t, brb1, wrb2_t, brb2, lnw, lnb)



def _sc_aggregate(xf0, xf1, row, col):
    n, dh = xf0.shape
    e = row.shape[0]
    info = plsc.get_sparse_core_info()
    nc, ns = info.num_cores, info.num_subcores
    nw = nc * ns
    chunk = 80
    e_per_tile = e // nw
    n_chunks = e_per_tile // chunk
    rows_per_tile = ((n + ns * 8 - 1) // (ns * 8)) * 8
    n_pad = rows_per_tile * ns
    zrows = rows_per_tile // 4
    n_zcopies = rows_per_tile // zrows

    mesh = plsc.VectorSubcoreMesh(core_axis_name="c", subcore_axis_name="s")

    @functools.partial(
        pl.kernel,
        out_type=(
            jax.ShapeDtypeStruct((nc, 2, n_pad, dh), jnp.float32),
            jax.ShapeDtypeStruct((nc, n_pad, 16), jnp.float32),
        ),
        mesh=mesh,
        scratch_types=[
            pltpu.VMEM((chunk,), jnp.int32),
            pltpu.VMEM((chunk,), jnp.int32),
            pltpu.VMEM((chunk, dh), jnp.float32),
            pltpu.VMEM((chunk, 16), jnp.float32),
            pltpu.VMEM((zrows, dh), jnp.float32),
            pltpu.VMEM((zrows, 16), jnp.float32),
            pltpu.VMEM_SHARED((n_pad, dh), jnp.float32),
            pltpu.VMEM_SHARED((n_pad, 16), jnp.float32),
            pltpu.SemaphoreType.DMA,
        ],
        compiler_params=pltpu.CompilerParams(use_tc_tiling_on_sc=False),
    )
    def agg_kernel(xf0_hbm, xf1_hbm, row_hbm, col_hbm, s_out, cnt_out,
                   ridx, cidx, rows, ones, zs, zc, s_sh, c_sh, sem):
        c = lax.axis_index("c")
        s = lax.axis_index("s")
        wid = c * ns + s
        z16 = jnp.zeros((16,), jnp.float32)
        one16 = jnp.ones((16,), jnp.float32)

        def init_z(i, carry):
            for k in range(dh // 16):
                zs[i, pl.ds(k * 16, 16)] = z16
            zc[i] = z16
            return carry

        lax.fori_loop(0, zrows, init_z, 0)

        def init_ones(i, carry):
            ones[i] = one16
            return carry

        lax.fori_loop(0, chunk, init_ones, 0)

        base_rows = s * rows_per_tile
        e0 = wid * e_per_tile

        for h, xfh in ((0, xf0_hbm), (1, xf1_hbm)):
            def zero_copy(i, carry):
                pltpu.sync_copy(zs,
                                s_sh.at[pl.ds(base_rows + i * zrows, zrows)])
                if h == 0:
                    pltpu.sync_copy(
                        zc, c_sh.at[pl.ds(base_rows + i * zrows, zrows)])
                return carry

            lax.fori_loop(0, n_zcopies, zero_copy, 0)
            plsc.subcore_barrier()

            def body(j, carry):
                base = e0 + j * chunk
                pltpu.sync_copy(row_hbm.at[pl.ds(base, chunk)], ridx)
                pltpu.sync_copy(col_hbm.at[pl.ds(base, chunk)], cidx)
                pltpu.async_copy(xfh.at[cidx], rows, sem).wait()
                pltpu.sync_copy(rows, s_sh.at[ridx], add=True)
                if h == 0:
                    pltpu.sync_copy(ones, c_sh.at[ridx], add=True)
                return carry

            lax.fori_loop(0, n_chunks, body, 0)
            plsc.subcore_barrier()

            pltpu.sync_copy(s_sh.at[pl.ds(base_rows, rows_per_tile)],
                            s_out.at[c, h, pl.ds(base_rows, rows_per_tile)])
            if h == 0:
                pltpu.sync_copy(c_sh.at[pl.ds(base_rows, rows_per_tile)],
                                cnt_out.at[c, pl.ds(base_rows, rows_per_tile)])

    return agg_kernel(xf0, xf1, row, col)



def _post_body(xf_ref, rate_ref, gamma_ref, s_ref, cnt_ref, deg_ref, lnw, lnb,
               out_ref):
    xf = xf_ref[...]
    rate = rate_ref[...]
    ssum = jnp.concatenate(
        [s_ref[0, 0] + s_ref[1, 0], s_ref[0, 1] + s_ref[1, 1]], axis=-1)
    cnt = cnt_ref[0, :, 0:1] + cnt_ref[1, :, 0:1]
    agg = cnt * xf + ssum
    denom = 1.0 + rate * deg_ref[...] + EPS
    out = (rate * agg + gamma_ref[...]) / denom - xf
    out_ref[...] = _layer_norm(out, lnw[...], lnb[...])


def _dense_post(xf, rate, gamma, s_part, cnt_part, deg_col, lnw, lnb):
    n, d = xf.shape
    blk = 1000
    grid = (n // blk,)
    row_spec = pl.BlockSpec((blk, d), lambda i: (i, 0))
    s_spec = pl.BlockSpec((2, 2, blk, d // 2), lambda i: (0, 0, i, 0))
    cnt_spec = pl.BlockSpec((2, blk, 16), lambda i: (0, i, 0))
    deg_spec = pl.BlockSpec((blk, 1), lambda i: (i, 0))
    vec = pl.BlockSpec((1, d), lambda i: (0, 0))
    return pl.pallas_call(
        _post_body,
        grid=grid,
        in_specs=[row_spec, row_spec, row_spec, s_spec, cnt_spec, deg_spec,
                  vec, vec],
        out_specs=row_spec,
        out_shape=jax.ShapeDtypeStruct((n, d), jnp.float32),
    )(xf, rate, gamma, s_part, cnt_part, deg_col, lnw, lnb)



def kernel(x, edge_index, degree, W_fc, b_fc, W_rate, W_rb1, b_rb1, W_rb2,
           b_rb2, ln_rb_w, ln_rb_b, ln_w, ln_b):
    n, d = x.shape
    row = edge_index[0]
    col = edge_index[1]
    xf, rate, gamma = _dense_pre(
        x, W_fc.T, b_fc.reshape(1, d), W_rate.T, W_rb1.T, b_rb1.reshape(1, d),
        W_rb2.T, b_rb2.reshape(1, d), ln_rb_w.reshape(1, d),
        ln_rb_b.reshape(1, d))
    s_part, cnt_part = _sc_aggregate(
        xf[:, : d // 2], xf[:, d // 2:], row, col)
    return _dense_post(xf, rate, gamma, s_part, cnt_part,
                       degree.reshape(n, 1), ln_w.reshape(1, d),
                       ln_b.reshape(1, d))

# --- scband reference (transcript-rebuilt; emitter-appended) ---
"""Pipeline reference for scband-boundary-conv-layer-61400852463787 (READ-ONLY COPY).

The authoritative reference and input builder live on the scoring server;
editing this copy changes nothing except your own understanding.
"""

import jax, jax.numpy as jnp
import numpy as np

EPS = 0.0001

def layer_norm(x, w, b, eps=1e-5):
    mu = jnp.mean(x, axis=-1, keepdims=True)
    var = jnp.var(x, axis=-1, keepdims=True)
    return (x - mu) / jnp.sqrt(var + eps) * w + b

def setup_inputs(seed: int = 0):
    key = jax.random.key(seed)
    ks = jax.random.split(key, 16)
    N, E, D, H = 10000, 320000, 128, 128
    s = 1.0 / np.sqrt(D)
    x = jax.random.normal(ks[0], (N, D), dtype=jnp.float32)
    edge_index = jax.random.randint(ks[1], (2, E), 0, N, dtype=jnp.int32)
    degree = jax.random.uniform(ks[2], (N,), dtype=jnp.float32)
    W_fc = jax.random.normal(ks[3], (D, D), dtype=jnp.float32) * s
    b_fc = jnp.zeros((D,), dtype=jnp.float32)
    W_rate = jax.random.normal(ks[4], (D, D), dtype=jnp.float32) * s
    W_rb1 = jax.random.normal(ks[5], (H, D), dtype=jnp.float32) * s
    b_rb1 = jnp.zeros((H,), dtype=jnp.float32)
    W_rb2 = jax.random.normal(ks[6], (D, H), dtype=jnp.float32) * (1.0 / np.sqrt(H))
    b_rb2 = jnp.zeros((D,), dtype=jnp.float32)
    ln_rb_w = jnp.ones((D,), dtype=jnp.float32)
    ln_rb_b = jnp.zeros((D,), dtype=jnp.float32)
    ln_w = jnp.ones((D,), dtype=jnp.float32)
    ln_b = jnp.zeros((D,), dtype=jnp.float32)
    return {"x": x, "edge_index": edge_index, "degree": degree, "W_fc": W_fc, "b_fc": b_fc, "W_rate": W_rate, "W_rb1": W_rb1, "b_rb1": b_rb1, "W_rb2": W_rb2, "b_rb2": b_rb2, "ln_rb_w": ln_rb_w, "ln_rb_b": ln_rb_b, "ln_w": ln_w, "ln_b": ln_b}

def reference(x, edge_index, degree, W_fc, b_fc, W_rate, W_rb1, b_rb1, W_rb2, b_rb2, ln_rb_w, ln_rb_b, ln_w, ln_b):
    # rate = Softplus(Linear(x)); dropout is identity in eval mode
    rate = jax.nn.softplus(x @ W_rate.T)
    # rob_bound = LayerNorm(Linear(Softplus(Linear(x))))
    h = jax.nn.softplus(x @ W_rb1.T + b_rb1)
    gamma = layer_norm(h @ W_rb2.T + b_rb2, ln_rb_w, ln_rb_b)
    # fc
    xf = x @ W_fc.T + b_fc
    z = xf
    row = edge_index[0]
    col = edge_index[1]
    msg = xf[row] + xf[col]
    agg = jax.ops.segment_sum(msg, row, num_segments=x.shape[0])
    out = (rate * agg + gamma) / (1.0 + rate * degree[:, None] + EPS) - z
    out = layer_norm(out, ln_w, ln_b)
    return out

if __name__ == "__main__":
    import jax
    _d = setup_inputs()
    print(jax.jit(kernel)(*tuple(_d.values())))

</pallas_src>

<mosaic_0001>
#map = affine_map<(d0, d1) -> (0, 0)>
#map1 = affine_map<(d0, d1) -> (0)>
#map2 = affine_map<(d0, d1) -> (0, 0, 0, 0)>
#map3 = affine_map<(d0, d1) -> (0, 0, 0)>
module attributes {stable_mosaic.version = 14 : i64} {
  func.func @agg_kernel(%arg0: i32, %arg1: i32, %arg2: memref<10000x64xf32, #tpu.memory_space<hbm>>, %arg3: memref<10000x64xf32, #tpu.memory_space<hbm>>, %arg4: memref<320000xi32, #tpu.memory_space<hbm>>, %arg5: memref<320000xi32, #tpu.memory_space<hbm>>, %arg6: memref<2x2x10112x64xf32, #tpu.memory_space<hbm>>, %arg7: memref<2x10112x16xf32, #tpu.memory_space<hbm>>, %arg8: memref<80xi32, #tpu.memory_space<vmem>>, %arg9: memref<80xi32, #tpu.memory_space<vmem>>, %arg10: memref<80x64xf32, #tpu.memory_space<vmem>>, %arg11: memref<80x16xf32, #tpu.memory_space<vmem>>, %arg12: memref<158x64xf32, #tpu.memory_space<vmem>>, %arg13: memref<158x16xf32, #tpu.memory_space<vmem>>, %arg14: memref<10112x64xf32, #tpu.memory_space<vmem_shared>>, %arg15: memref<10112x16xf32, #tpu.memory_space<vmem_shared>>, %arg16: memref<!tpu.dma_semaphore, #tpu.memory_space<semaphore_mem>>) attributes {dimension_semantics = [#tpu.dimension_semantics<core_parallel>, #tpu.dimension_semantics<subcore_parallel>], iteration_bounds = array<i64: 2, 16>, scalar_prefetch = 0 : i64, scratch_operands = 9 : i64, tpu.core_type = #tpu.core_type<sc_vector_subcore>, window_params = [{transform_indices = #map}, {transform_indices = #map}, {transform_indices = #map1}, {transform_indices = #map1}, {transform_indices = #map2}, {transform_indices = #map3}]} {
    %mul3A = arith.constant 16 : i32
    %mul3A_0 = arith.muli %arg0, %mul3A : i32
    %add3A = arith.addi %mul3A_0, %arg1 : i32
    %broadcast_in_dim3A = arith.constant 0.000000e+00 : f32
    %broadcast_in_dim3A_1 = vector.broadcast %broadcast_in_dim3A : f32 to vector<16xf32>
    %broadcast_in_dim3A_2 = arith.constant 1.000000e+00 : f32
    %broadcast_in_dim3A_3 = vector.broadcast %broadcast_in_dim3A_2 : f32 to vector<16xf32>
    %scan3A = arith.constant 0 : i32
    %scan3A_4 = arith.constant 0 : i32
    %scan3A_5 = arith.constant 158 : i32
    %scan3A_6 = arith.addi %scan3A_4, %scan3A_5 : i32
    %scan3A_7 = arith.constant 1 : i32
    scf.for %scan3A_47 = %scan3A_4 to %scan3A_6 step %scan3A_7  : i32 {
      %swap3A = arith.index_cast %scan3A_47 : i32 to index
      %swap3A_48 = arith.constant 0 : index
      %swap3A_49 = tpu.vector_load %arg12[%swap3A, %swap3A_48] {strides = array<i32>} : memref<158x64xf32, #tpu.memory_space<vmem>>, vector<1x16xf32>,
      %swap3A_50 = vector.shape_cast %swap3A_49 : vector<1x16xf32> to vector<16xf32>
      %swap3A_51 = vector.shape_cast %broadcast_in_dim3A_1 : vector<16xf32> to vector<1x16xf32>
      tpu.vector_store %arg12[%swap3A, %swap3A_48], %swap3A_51 {strides = array<i32>} : memref<158x64xf32, #tpu.memory_space<vmem>>, vector<1x16xf32>,
      %swap3A_52 = arith.index_cast %scan3A_47 : i32 to index
      %swap3A_53 = arith.constant 16 : index
      %swap3A_54 = tpu.vector_load %arg12[%swap3A_52, %swap3A_53] {strides = array<i32>} : memref<158x64xf32, #tpu.memory_space<vmem>>, vector<1x16xf32>,
      %swap3A_55 = vector.shape_cast %swap3A_54 : vector<1x16xf32> to vector<16xf32>
      %swap3A_56 = vector.shape_cast %broadcast_in_dim3A_1 : vector<16xf32> to vector<1x16xf32>
      tpu.vector_store %arg12[%swap3A_52, %swap3A_53], %swap3A_56 {strides = array<i32>} : memref<158x64xf32, #tpu.memory_space<vmem>>, vector<1x16xf32>,
      %swap3A_57 = arith.index_cast %scan3A_47 : i32 to index
      %swap3A_58 = arith.constant 32 : index
      %swap3A_59 = tpu.vector_load %arg12[%swap3A_57, %swap3A_58] {strides = array<i32>} : memref<158x64xf32, #tpu.memory_space<vmem>>, vector<1x16xf32>,
      %swap3A_60 = vector.shape_cast %swap3A_59 : vector<1x16xf32> to vector<16xf32>
      %swap3A_61 = vector.shape_cast %broadcast_in_dim3A_1 : vector<16xf32> to vector<1x16xf32>
      tpu.vector_store %arg12[%swap3A_57, %swap3A_58], %swap3A_61 {strides = array<i32>} : memref<158x64xf32, #tpu.memory_space<vmem>>, vector<1x16xf32>,
      %swap3A_62 = arith.index_cast %scan3A_47 : i32 to index
      %swap3A_63 = arith.constant 48 : index
      %swap3A_64 = tpu.vector_load %arg12[%swap3A_62, %swap3A_63] {strides = array<i32>} : memref<158x64xf32, #tpu.memory_space<vmem>>, vector<1x16xf32>,
      %swap3A_65 = vector.shape_cast %swap3A_64 : vector<1x16xf32> to vector<16xf32>
      %swap3A_66 = vector.shape_cast %broadcast_in_dim3A_1 : vector<16xf32> to vector<1x16xf32>
      tpu.vector_store %arg12[%swap3A_62, %swap3A_63], %swap3A_66 {strides = array<i32>} : memref<158x64xf32, #tpu.memory_space<vmem>>, vector<1x16xf32>,
      %swap3A_67 = arith.index_cast %scan3A_47 : i32 to index
      %swap3A_68 = arith.constant 0 : index
      %swap3A_69 = tpu.vector_load %arg13[%swap3A_67, %swap3A_68] {strides = array<i32>} : memref<158x16xf32, #tpu.memory_space<vmem>>, vector<1x16xf32>,
      %swap3A_70 = vector.shape_cast %swap3A_69 : vector<1x16xf32> to vector<16xf32>
      %swap3A_71 = vector.shape_cast %broadcast_in_dim3A_1 : vector<16xf32> to vector<1x16xf32>
      tpu.vector_store %arg13[%swap3A_67, %swap3A_68], %swap3A_71 {strides = array<i32>} : memref<158x16xf32, #tpu.memory_space<vmem>>, vector<1x16xf32>,
    }
    %scan3A_8 = arith.constant 158 : i32
    %scan3A_9 = arith.constant 0 : i32
    %scan3A_10 = arith.constant 0 : i32
    %scan3A_11 = arith.constant 80 : i32
    %scan3A_12 = arith.addi %scan3A_10, %scan3A_11 : i32
    %scan3A_13 = arith.constant 1 : i32
    scf.for %scan3A_47 = %scan3A_10 to %scan3A_12 step %scan3A_13  : i32 {
      %swap3A = arith.index_cast %scan3A_47 : i32 to index
      %swap3A_48 = arith.constant 0 : index
      %swap3A_49 = tpu.vector_load %arg11[%swap3A, %swap3A_48] {strides = array<i32>} : memref<80x16xf32, #tpu.memory_space<vmem>>, vector<1x16xf32>,
      %swap3A_50 = vector.shape_cast %swap3A_49 : vector<1x16xf32> to vector<16xf32>
      %swap3A_51 = vector.shape_cast %broadcast_in_dim3A_3 : vector<16xf32> to vector<1x16xf32>
      tpu.vector_store %arg11[%swap3A, %swap3A_48], %swap3A_51 {strides = array<i32>} : memref<80x16xf32, #tpu.memory_space<vmem>>, vector<1x16xf32>,
    }
    %scan3A_14 = arith.constant 80 : i32
    %mul3A_15 = arith.constant 632 : i32
    %mul3A_16 = arith.muli %arg1, %mul3A_15 : i32
    %mul3A_17 = arith.constant 10000 : i32
    %mul3A_18 = arith.muli %add3A, %mul3A_17 : i32
    %scan3A_19 = arith.constant 0 : i32
    %scan3A_20 = arith.constant 0 : i32
    %scan3A_21 = arith.constant 4 : i32
    %scan3A_22 = arith.addi %scan3A_20, %scan3A_21 : i32
    %scan3A_23 = arith.constant 1 : i32
    scf.for %scan3A_47 = %scan3A_20 to %scan3A_22 step %scan3A_23  : i32 {
      %mul3A_48 = arith.constant 158 : i32
      %mul3A_49 = arith.muli %scan3A_47, %mul3A_48 : i32
      %add3A_50 = arith.addi %mul3A_16, %mul3A_49 : i32
      "tpu.region"() ({
        %run_scoped3A_54 = tpu.sem_alloc : memref<!tpu.dma_semaphore, #tpu.memory_space<semaphore_mem>>
        %dma_start3A = arith.constant 0 : i32
        %dma_start3A_55 = tpu.memref_slice %arg14[%add3A_50, %dma_start3A] : memref<10112x64xf32, #tpu.memory_space<vmem_shared>> -> memref<158x64xf32, #tpu.memory_space<vmem_shared>>
        %dma_start3A_56 = arith.constant 0 : i32
        %dma_start3A_57 = tpu.memref_slice %arg14[%add3A_50, %dma_start3A_56] : memref<10112x64xf32, #tpu.memory_space<vmem_shared>> -> memref<158x64xf32, #tpu.memory_space<vmem_shared>>
        tpu.enqueue_dma source(%arg12 : memref<158x64xf32, #tpu.memory_space<vmem>>) target(%dma_start3A_57 : memref<158x64xf32, #tpu.memory_space<vmem_shared>>) target_semaphore(%run_scoped3A_54 : memref<!tpu.dma_semaphore, #tpu.memory_space<semaphore_mem>>)
        %dma_wait3A = arith.constant 0 : i32
        %dma_wait3A_58 = tpu.memref_slice %arg14[%add3A_50, %dma_wait3A] : memref<10112x64xf32, #tpu.memory_space<vmem_shared>> -> memref<158x64xf32, #tpu.memory_space<vmem_shared>>
        %dma_wait3A_59 = arith.constant 0 : i32
        %dma_wait3A_60 = tpu.memref_slice %arg14[%add3A_50, %dma_wait3A_59] : memref<10112x64xf32, #tpu.memory_space<vmem_shared>> -> memref<158x64xf32, #tpu.memory_space<vmem_shared>>
        tpu.wait_dma2 semaphore(%run_scoped3A_54 : memref<!tpu.dma_semaphore, #tpu.memory_space<semaphore_mem>>) src(%arg12 : memref<158x64xf32, #tpu.memory_space<vmem>>) dst(%dma_wait3A_60 : memref<158x64xf32, #tpu.memory_space<vmem_shared>>)
        tpu.yield
      }) : () -> ()
      %mul3A_51 = arith.constant 158 : i32
      %mul3A_52 = arith.muli %scan3A_47, %mul3A_51 : i32
      %add3A_53 = arith.addi %mul3A_16, %mul3A_52 : i32
      "tpu.region"() ({
        %run_scoped3A_54 = tpu.sem_alloc : memref<!tpu.dma_semaphore, #tpu.memory_space<semaphore_mem>>
        %dma_start3A = arith.constant 0 : i32
        %dma_start3A_55 = tpu.memref_slice %arg15[%add3A_53, %dma_start3A] : memref<10112x16xf32, #tpu.memory_space<vmem_shared>> -> memref<158x16xf32, #tpu.memory_space<vmem_shared>>
        %dma_start3A_56 = arith.constant 0 : i32
        %dma_start3A_57 = tpu.memref_slice %arg15[%add3A_53, %dma_start3A_56] : memref<10112x16xf32, #tpu.memory_space<vmem_shared>> -> memref<158x16xf32, #tpu.memory_space<vmem_shared>>
        tpu.enqueue_dma source(%arg13 : memref<158x16xf32, #tpu.memory_space<vmem>>) target(%dma_start3A_57 : memref<158x16xf32, #tpu.memory_space<vmem_shared>>) target_semaphore(%run_scoped3A_54 : memref<!tpu.dma_semaphore, #tpu.memory_space<semaphore_mem>>)
        %dma_wait3A = arith.constant 0 : i32
        %dma_wait3A_58 = tpu.memref_slice %arg15[%add3A_53, %dma_wait3A] : memref<10112x16xf32, #tpu.memory_space<vmem_shared>> -> memref<158x16xf32, #tpu.memory_space<vmem_shared>>
        %dma_wait3A_59 = arith.constant 0 : i32
        %dma_wait3A_60 = tpu.memref_slice %arg15[%add3A_53, %dma_wait3A_59] : memref<10112x16xf32, #tpu.memory_space<vmem_shared>> -> memref<158x16xf32, #tpu.memory_space<vmem_shared>>
        tpu.wait_dma2 semaphore(%run_scoped3A_54 : memref<!tpu.dma_semaphore, #tpu.memory_space<semaphore_mem>>) src(%arg13 : memref<158x16xf32, #tpu.memory_space<vmem>>) dst(%dma_wait3A_60 : memref<158x16xf32, #tpu.memory_space<vmem_shared>>)
        tpu.yield
      }) : () -> ()
    }
    %scan3A_24 = arith.constant 4 : i32
    %barrier3A = arith.constant 0 : index
    tpu.barrier barrier_id(%barrier3A)
    %scan3A_25 = arith.constant 0 : i32
    %scan3A_26 = arith.constant 0 : i32
    %scan3A_27 = arith.constant 125 : i32
    %scan3A_28 = arith.addi %scan3A_26, %scan3A_27 : i32
    %scan3A_29 = arith.constant 1 : i32
    scf.for %scan3A_47 = %scan3A_26 to %scan3A_28 step %scan3A_29  : i32 {
      %mul3A_48 = arith.constant 80 : i32
      %mul3A_49 = arith.muli %scan3A_47, %mul3A_48 : i32
      %add3A_50 = arith.addi %mul3A_18, %mul3A_49 : i32
      "tpu.region"() ({
        %run_scoped3A_55 = tpu.sem_alloc : memref<!tpu.dma_semaphore, #tpu.memory_space<semaphore_mem>>
        %dma_start3A_56 = tpu.memref_slice %arg4[%add3A_50] : memref<320000xi32, #tpu.memory_space<hbm>> -> memref<80xi32, #tpu.memory_space<hbm>>
        %dma_start3A_57 = tpu.memref_slice %arg4[%add3A_50] : memref<320000xi32, #tpu.memory_space<hbm>> -> memref<80xi32, #tpu.memory_space<hbm>>
        tpu.enqueue_dma source(%dma_start3A_57 : memref<80xi32, #tpu.memory_space<hbm>>) target(%arg8 : memref<80xi32, #tpu.memory_space<vmem>>) target_semaphore(%run_scoped3A_55 : memref<!tpu.dma_semaphore, #tpu.memory_space<semaphore_mem>>)
        %dma_wait3A_58 = tpu.memref_slice %arg4[%add3A_50] : memref<320000xi32, #tpu.memory_space<hbm>> -> memref<80xi32, #tpu.memory_space<hbm>>
        %dma_wait3A_59 = tpu.memref_slice %arg4[%add3A_50] : memref<320000xi32, #tpu.memory_space<hbm>> -> memref<80xi32, #tpu.memory_space<hbm>>
        tpu.wait_dma2 semaphore(%run_scoped3A_55 : memref<!tpu.dma_semaphore, #tpu.memory_space<semaphore_mem>>) src(%dma_wait3A_59 : memref<80xi32, #tpu.memory_space<hbm>>) dst(%arg8 : memref<80xi32, #tpu.memory_space<vmem>>)
        tpu.yield
      }) : () -> ()
      "tpu.region"() ({
        %run_scoped3A_55 = tpu.sem_alloc : memref<!tpu.dma_semaphore, #tpu.memory_space<semaphore_mem>>
        %dma_start3A_56 = tpu.memref_slice %arg5[%add3A_50] : memref<320000xi32, #tpu.memory_space<hbm>> -> memref<80xi32, #tpu.memory_space<hbm>>
        %dma_start3A_57 = tpu.memref_slice %arg5[%add3A_50] : memref<320000xi32, #tpu.memory_space<hbm>> -> memref<80xi32, #tpu.memory_space<hbm>>
        tpu.enqueue_dma source(%dma_start3A_57 : memref<80xi32, #tpu.memory_space<hbm>>) target(%arg9 : memref<80xi32, #tpu.memory_space<vmem>>) target_semaphore(%run_scoped3A_55 : memref<!tpu.dma_semaphore, #tpu.memory_space<semaphore_mem>>)
        %dma_wait3A_58 = tpu.memref_slice %arg5[%add3A_50] : memref<320000xi32, #tpu.memory_space<hbm>> -> memref<80xi32, #tpu.memory_space<hbm>>
        %dma_wait3A_59 = tpu.memref_slice %arg5[%add3A_50] : memref<320000xi32, #tpu.memory_space<hbm>> -> memref<80xi32, #tpu.memory_space<hbm>>
        tpu.wait_dma2 semaphore(%run_scoped3A_55 : memref<!tpu.dma_semaphore, #tpu.memory_space<semaphore_mem>>) src(%dma_wait3A_59 : memref<80xi32, #tpu.memory_space<hbm>>) dst(%arg9 : memref<80xi32, #tpu.memory_space<vmem>>)
        tpu.yield
      }) : () -> ()
      %dma_start3A = arith.constant 0 : i32
      %dma_start3A_51 = arith.constant 0 : i32
      %dma_start3A_52 = tpu.memref_slice %arg2[%dma_start3A, %dma_start3A_51] : memref<10000x64xf32, #tpu.memory_space<hbm>> -> memref<10000x64xf32, #tpu.memory_space<hbm>>
      tpu.enqueue_indirect_dma source(%dma_start3A_52 : memref<10000x64xf32, #tpu.memory_space<hbm>>) target(%arg10 : memref<80x64xf32, #tpu.memory_space<vmem>>) offsets(%arg9 : memref<80xi32, #tpu.memory_space<vmem>>) semaphore(%arg16 : memref<!tpu.dma_semaphore, #tpu.memory_space<semaphore_mem>>)
      %dma_wait3A = arith.constant 0 : i32
      %dma_wait3A_53 = arith.constant 0 : i32
      %dma_wait3A_54 = tpu.memref_slice %arg2[%dma_wait3A, %dma_wait3A_53] : memref<10000x64xf32, #tpu.memory_space<hbm>> -> memref<10000x64xf32, #tpu.memory_space<hbm>>
      tpu.wait_indirect_dma semaphore(%arg16 : memref<!tpu.dma_semaphore, #tpu.memory_space<semaphore_mem>>) src(%dma_wait3A_54 : memref<10000x64xf32, #tpu.memory_space<hbm>>) dst(%arg10 : memref<80x64xf32, #tpu.memory_space<vmem>>)
      "tpu.region"() ({
        %run_scoped3A_55 = tpu.sem_alloc : memref<!tpu.dma_semaphore, #tpu.memory_space<semaphore_mem>>
        %dma_start3A_56 = arith.constant 0 : i32
        %dma_start3A_57 = arith.constant 0 : i32
        %dma_start3A_58 = tpu.memref_slice %arg14[%dma_start3A_56, %dma_start3A_57] : memref<10112x64xf32, #tpu.memory_space<vmem_shared>> -> memref<10112x64xf32, #tpu.memory_space<vmem_shared>>
        tpu.enqueue_indirect_dma source(%arg10 : memref<80x64xf32, #tpu.memory_space<vmem>>) target(%dma_start3A_58 : memref<10112x64xf32, #tpu.memory_space<vmem_shared>>) offsets(%arg8 : memref<80xi32, #tpu.memory_space<vmem>>) semaphore(%run_scoped3A_55 : memref<!tpu.dma_semaphore, #tpu.memory_space<semaphore_mem>>) {add = true}
        %dma_wait3A_59 = arith.constant 0 : i32
        %dma_wait3A_60 = arith.constant 0 : i32
        %dma_wait3A_61 = tpu.memref_slice %arg14[%dma_wait3A_59, %dma_wait3A_60] : memref<10112x64xf32, #tpu.memory_space<vmem_shared>> -> memref<10112x64xf32, #tpu.memory_space<vmem_shared>>
        tpu.wait_indirect_dma semaphore(%run_scoped3A_55 : memref<!tpu.dma_semaphore, #tpu.memory_space<semaphore_mem>>) src(%arg10 : memref<80x64xf32, #tpu.memory_space<vmem>>) dst(%dma_wait3A_61 : memref<10112x64xf32, #tpu.memory_space<vmem_shared>>)
        tpu.yield
      }) : () -> ()
      "tpu.region"() ({
        %run_scoped3A_55 = tpu.sem_alloc : memref<!tpu.dma_semaphore, #tpu.memory_space<semaphore_mem>>
        %dma_start3A_56 = arith.constant 0 : i32
        %dma_start3A_57 = arith.constant 0 : i32
        %dma_start3A_58 = tpu.memref_slice %arg15[%dma_start3A_56, %dma_start3A_57] : memref<10112x16xf32, #tpu.memory_space<vmem_shared>> -> memref<10112x16xf32, #tpu.memory_space<vmem_shared>>
        tpu.enqueue_indirect_dma source(%arg11 : memref<80x16xf32, #tpu.memory_space<vmem>>) target(%dma_start3A_58 : memref<10112x16xf32, #tpu.memory_space<vmem_shared>>) offsets(%arg8 : memref<80xi32, #tpu.memory_space<vmem>>) semaphore(%run_scoped3A_55 : memref<!tpu.dma_semaphore, #tpu.memory_space<semaphore_mem>>) {add = true}
        %dma_wait3A_59 = arith.constant 0 : i32
        %dma_wait3A_60 = arith.constant 0 : i32
        %dma_wait3A_61 = tpu.memref_slice %arg15[%dma_wait3A_59, %dma_wait3A_60] : memref<10112x16xf32, #tpu.memory_space<vmem_shared>> -> memref<10112x16xf32, #tpu.memory_space<vmem_shared>>
        tpu.wait_indirect_dma semaphore(%run_scoped3A_55 : memref<!tpu.dma_semaphore, #tpu.memory_space<semaphore_mem>>) src(%arg11 : memref<80x16xf32, #tpu.memory_space<vmem>>) dst(%dma_wait3A_61 : memref<10112x16xf32, #tpu.memory_space<vmem_shared>>)
        tpu.yield
      }) : () -> ()
    }
    %scan3A_30 = arith.constant 125 : i32
    %barrier3A_31 = arith.constant 0 : index
    tpu.barrier barrier_id(%barrier3A_31)
    %run_scoped3A = arith.constant 0 : i32
    "tpu.region"() ({
      %run_scoped3A_47 = tpu.sem_alloc : memref<!tpu.dma_semaphore, #tpu.memory_space<semaphore_mem>>
      %dma_start3A = arith.constant 0 : i32
      %dma_start3A_48 = tpu.memref_slice %arg6[%arg0, %run_scoped3A, %mul3A_16, %dma_start3A] : memref<2x2x10112x64xf32, #tpu.memory_space<hbm>> -> memref<1x1x632x64xf32, #tpu.memory_space<hbm>>
      %dma_start3A_49 = tpu.memref_squeeze %dma_start3A_48 : memref<1x1x632x64xf32, #tpu.memory_space<hbm>> -> memref<632x64xf32, #tpu.memory_space<hbm>>
      %dma_start3A_50 = arith.constant 0 : i32
      %dma_start3A_51 = tpu.memref_slice %arg14[%mul3A_16, %dma_start3A_50] : memref<10112x64xf32, #tpu.memory_space<vmem_shared>> -> memref<632x64xf32, #tpu.memory_space<vmem_shared>>
      tpu.enqueue_dma source(%dma_start3A_51 : memref<632x64xf32, #tpu.memory_space<vmem_shared>>) target(%dma_start3A_49 : memref<632x64xf32, #tpu.memory_space<hbm>>) target_semaphore(%run_scoped3A_47 : memref<!tpu.dma_semaphore, #tpu.memory_space<semaphore_mem>>)
      %dma_wait3A = arith.constant 0 : i32
      %dma_wait3A_52 = tpu.memref_slice %arg6[%arg0, %run_scoped3A, %mul3A_16, %dma_wait3A] : memref<2x2x10112x64xf32, #tpu.memory_space<hbm>> -> memref<1x1x632x64xf32, #tpu.memory_space<hbm>>
      %dma_wait3A_53 = tpu.memref_squeeze %dma_wait3A_52 : memref<1x1x632x64xf32, #tpu.memory_space<hbm>> -> memref<632x64xf32, #tpu.memory_space<hbm>>
      %dma_wait3A_54 = arith.constant 0 : i32
      %dma_wait3A_55 = tpu.memref_slice %arg14[%mul3A_16, %dma_wait3A_54] : memref<10112x64xf32, #tpu.memory_space<vmem_shared>> -> memref<632x64xf32, #tpu.memory_space<vmem_shared>>
      tpu.wait_dma2 semaphore(%run_scoped3A_47 : memref<!tpu.dma_semaphore, #tpu.memory_space<semaphore_mem>>) src(%dma_wait3A_55 : memref<632x64xf32, #tpu.memory_space<vmem_shared>>) dst(%dma_wait3A_53 : memref<632x64xf32, #tpu.memory_space<hbm>>)
      tpu.yield
    }) : () -> ()
    "tpu.region"() ({
      %run_scoped3A_47 = tpu.sem_alloc : memref<!tpu.dma_semaphore, #tpu.memory_space<semaphore_mem>>
      %dma_start3A = arith.constant 0 : i32
      %dma_start3A_48 = tpu.memref_slice %arg7[%arg0, %mul3A_16, %dma_start3A] : memref<2x10112x16xf32, #tpu.memory_space<hbm>> -> memref<1x632x16xf32, #tpu.memory_space<hbm>>
      %dma_start3A_49 = tpu.memref_squeeze %dma_start3A_48 : memref<1x632x16xf32, #tpu.memory_space<hbm>> -> memref<632x16xf32, #tpu.memory_space<hbm>>
      %dma_start3A_50 = arith.constant 0 : i32
      %dma_start3A_51 = tpu.memref_slice %arg15[%mul3A_16, %dma_start3A_50] : memref<10112x16xf32, #tpu.memory_space<vmem_shared>> -> memref<632x16xf32, #tpu.memory_space<vmem_shared>>
      tpu.enqueue_dma source(%dma_start3A_51 : memref<632x16xf32, #tpu.memory_space<vmem_shared>>) target(%dma_start3A_49 : memref<632x16xf32, #tpu.memory_space<hbm>>) target_semaphore(%run_scoped3A_47 : memref<!tpu.dma_semaphore, #tpu.memory_space<semaphore_mem>>)
      %dma_wait3A = arith.constant 0 : i32
      %dma_wait3A_52 = tpu.memref_slice %arg7[%arg0, %mul3A_16, %dma_wait3A] : memref<2x10112x16xf32, #tpu.memory_space<hbm>> -> memref<1x632x16xf32, #tpu.memory_space<hbm>>
      %dma_wait3A_53 = tpu.memref_squeeze %dma_wait3A_52 : memref<1x632x16xf32, #tpu.memory_space<hbm>> -> memref<632x16xf32, #tpu.memory_space<hbm>>
      %dma_wait3A_54 = arith.constant 0 : i32
      %dma_wait3A_55 = tpu.memref_slice %arg15[%mul3A_16, %dma_wait3A_54] : memref<10112x16xf32, #tpu.memory_space<vmem_shared>> -> memref<632x16xf32, #tpu.memory_space<vmem_shared>>
      tpu.wait_dma2 semaphore(%run_scoped3A_47 : memref<!tpu.dma_semaphore, #tpu.memory_space<semaphore_mem>>) src(%dma_wait3A_55 : memref<632x16xf32, #tpu.memory_space<vmem_shared>>) dst(%dma_wait3A_53 : memref<632x16xf32, #tpu.memory_space<hbm>>)
      tpu.yield
    }) : () -> ()
    %scan3A_32 = arith.constant 0 : i32
    %scan3A_33 = arith.constant 0 : i32
    %scan3A_34 = arith.constant 4 : i32
    %scan3A_35 = arith.addi %scan3A_33, %scan3A_34 : i32
    %scan3A_36 = arith.constant 1 : i32
    scf.for %scan3A_47 = %scan3A_33 to %scan3A_35 step %scan3A_36  : i32 {
      %mul3A_48 = arith.constant 158 : i32
      %mul3A_49 = arith.muli %scan3A_47, %mul3A_48 : i32
      %add3A_50 = arith.addi %mul3A_16, %mul3A_49 : i32
      "tpu.region"() ({
        %run_scoped3A_51 = tpu.sem_alloc : memref<!tpu.dma_semaphore, #tpu.memory_space<semaphore_mem>>
        %dma_start3A = arith.constant 0 : i32
        %dma_start3A_52 = tpu.memref_slice %arg14[%add3A_50, %dma_start3A] : memref<10112x64xf32, #tpu.memory_space<vmem_shared>> -> memref<158x64xf32, #tpu.memory_space<vmem_shared>>
        %dma_start3A_53 = arith.constant 0 : i32
        %dma_start3A_54 = tpu.memref_slice %arg14[%add3A_50, %dma_start3A_53] : memref<10112x64xf32, #tpu.memory_space<vmem_shared>> -> memref<158x64xf32, #tpu.memory_space<vmem_shared>>
        tpu.enqueue_dma source(%arg12 : memref<158x64xf32, #tpu.memory_space<vmem>>) target(%dma_start3A_54 : memref<158x64xf32, #tpu.memory_space<vmem_shared>>) target_semaphore(%run_scoped3A_51 : memref<!tpu.dma_semaphore, #tpu.memory_space<semaphore_mem>>)
        %dma_wait3A = arith.constant 0 : i32
        %dma_wait3A_55 = tpu.memref_slice %arg14[%add3A_50, %dma_wait3A] : memref<10112x64xf32, #tpu.memory_space<vmem_shared>> -> memref<158x64xf32, #tpu.memory_space<vmem_shared>>
        %dma_wait3A_56 = arith.constant 0 : i32
        %dma_wait3A_57 = tpu.memref_slice %arg14[%add3A_50, %dma_wait3A_56] : memref<10112x64xf32, #tpu.memory_space<vmem_shared>> -> memref<158x64xf32, #tpu.memory_space<vmem_shared>>
        tpu.wait_dma2 semaphore(%run_scoped3A_51 : memref<!tpu.dma_semaphore, #tpu.memory_space<semaphore_mem>>) src(%arg12 : memref<158x64xf32, #tpu.memory_space<vmem>>) dst(%dma_wait3A_57 : memref<158x64xf32, #tpu.memory_space<vmem_shared>>)
        tpu.yield
      }) : () -> ()
    }
    %scan3A_37 = arith.constant 4 : i32
    %barrier3A_38 = arith.constant 0 : index
    tpu.barrier barrier_id(%barrier3A_38)
    %scan3A_39 = arith.constant 0 : i32
    %scan3A_40 = arith.constant 0 : i32
    %scan3A_41 = arith.constant 125 : i32
    %scan3A_42 = arith.addi %scan3A_40, %scan3A_41 : i32
    %scan3A_43 = arith.constant 1 : i32
    scf.for %scan3A_47 = %scan3A_40 to %scan3A_42 step %scan3A_43  : i32 {
      %mul3A_48 = arith.constant 80 : i32
      %mul3A_49 = arith.muli %scan3A_47, %mul3A_48 : i32
      %add3A_50 = arith.addi %mul3A_18, %mul3A_49 : i32
      "tpu.region"() ({
        %run_scoped3A_55 = tpu.sem_alloc : memref<!tpu.dma_semaphore, #tpu.memory_space<semaphore_mem>>
        %dma_start3A_56 = tpu.memref_slice %arg4[%add3A_50] : memref<320000xi32, #tpu.memory_space<hbm>> -> memref<80xi32, #tpu.memory_space<hbm>>
        %dma_start3A_57 = tpu.memref_slice %arg4[%add3A_50] : memref<320000xi32, #tpu.memory_space<hbm>> -> memref<80xi32, #tpu.memory_space<hbm>>
        tpu.enqueue_dma source(%dma_start3A_57 : memref<80xi32, #tpu.memory_space<hbm>>) target(%arg8 : memref<80xi32, #tpu.memory_space<vmem>>) target_semaphore(%run_scoped3A_55 : memref<!tpu.dma_semaphore, #tpu.memory_space<semaphore_mem>>)
        %dma_wait3A_58 = tpu.memref_slice %arg4[%add3A_50] : memref<320000xi32, #tpu.memory_space<hbm>> -> memref<80xi32, #tpu.memory_space<hbm>>
        %dma_wait3A_59 = tpu.memref_slice %arg4[%add3A_50] : memref<320000xi32, #tpu.memory_space<hbm>> -> memref<80xi32, #tpu.memory_space<hbm>>
        tpu.wait_dma2 semaphore(%run_scoped3A_55 : memref<!tpu.dma_semaphore, #tpu.memory_space<semaphore_mem>>) src(%dma_wait3A_59 : memref<80xi32, #tpu.memory_space<hbm>>) dst(%arg8 : memref<80xi32, #tpu.memory_space<vmem>>)
        tpu.yield
      }) : () -> ()
      "tpu.region"() ({
        %run_scoped3A_55 = tpu.sem_alloc : memref<!tpu.dma_semaphore, #tpu.memory_space<semaphore_mem>>
        %dma_start3A_56 = tpu.memref_slice %arg5[%add3A_50] : memref<320000xi32, #tpu.memory_space<hbm>> -> memref<80xi32, #tpu.memory_space<hbm>>
        %dma_start3A_57 = tpu.memref_slice %arg5[%add3A_50] : memref<320000xi32, #tpu.memory_space<hbm>> -> memref<80xi32, #tpu.memory_space<hbm>>
        tpu.enqueue_dma source(%dma_start3A_57 : memref<80xi32, #tpu.memory_space<hbm>>) target(%arg9 : memref<80xi32, #tpu.memory_space<vmem>>) target_semaphore(%run_scoped3A_55 : memref<!tpu.dma_semaphore, #tpu.memory_space<semaphore_mem>>)
        %dma_wait3A_58 = tpu.memref_slice %arg5[%add3A_50] : memref<320000xi32, #tpu.memory_space<hbm>> -> memref<80xi32, #tpu.memory_space<hbm>>
        %dma_wait3A_59 = tpu.memref_slice %arg5[%add3A_50] : memref<320000xi32, #tpu.memory_space<hbm>> -> memref<80xi32, #tpu.memory_space<hbm>>
        tpu.wait_dma2 semaphore(%run_scoped3A_55 : memref<!tpu.dma_semaphore, #tpu.memory_space<semaphore_mem>>) src(%dma_wait3A_59 : memref<80xi32, #tpu.memory_space<hbm>>) dst(%arg9 : memref<80xi32, #tpu.memory_space<vmem>>)
        tpu.yield
      }) : () -> ()
      %dma_start3A = arith.constant 0 : i32
      %dma_start3A_51 = arith.constant 0 : i32
      %dma_start3A_52 = tpu.memref_slice %arg3[%dma_start3A, %dma_start3A_51] : memref<10000x64xf32, #tpu.memory_space<hbm>> -> memref<10000x64xf32, #tpu.memory_space<hbm>>
      tpu.enqueue_indirect_dma source(%dma_start3A_52 : memref<10000x64xf32, #tpu.memory_space<hbm>>) target(%arg10 : memref<80x64xf32, #tpu.memory_space<vmem>>) offsets(%arg9 : memref<80xi32, #tpu.memory_space<vmem>>) semaphore(%arg16 : memref<!tpu.dma_semaphore, #tpu.memory_space<semaphore_mem>>)
      %dma_wait3A = arith.constant 0 : i32
      %dma_wait3A_53 = arith.constant 0 : i32
      %dma_wait3A_54 = tpu.memref_slice %arg3[%dma_wait3A, %dma_wait3A_53] : memref<10000x64xf32, #tpu.memory_space<hbm>> -> memref<10000x64xf32, #tpu.memory_space<hbm>>
      tpu.wait_indirect_dma semaphore(%arg16 : memref<!tpu.dma_semaphore, #tpu.memory_space<semaphore_mem>>) src(%dma_wait3A_54 : memref<10000x64xf32, #tpu.memory_space<hbm>>) dst(%arg10 : memref<80x64xf32, #tpu.memory_space<vmem>>)
      "tpu.region"() ({
        %run_scoped3A_55 = tpu.sem_alloc : memref<!tpu.dma_semaphore, #tpu.memory_space<semaphore_mem>>
        %dma_start3A_56 = arith.constant 0 : i32
        %dma_start3A_57 = arith.constant 0 : i32
        %dma_start3A_58 = tpu.memref_slice %arg14[%dma_start3A_56, %dma_start3A_57] : memref<10112x64xf32, #tpu.memory_space<vmem_shared>> -> memref<10112x64xf32, #tpu.memory_space<vmem_shared>>
        tpu.enqueue_indirect_dma source(%arg10 : memref<80x64xf32, #tpu.memory_space<vmem>>) target(%dma_start3A_58 : memref<10112x64xf32, #tpu.memory_space<vmem_shared>>) offsets(%arg8 : memref<80xi32, #tpu.memory_space<vmem>>) semaphore(%run_scoped3A_55 : memref<!tpu.dma_semaphore, #tpu.memory_space<semaphore_mem>>) {add = true}
        %dma_wait3A_59 = arith.constant 0 : i32
        %dma_wait3A_60 = arith.constant 0 : i32
        %dma_wait3A_61 = tpu.memref_slice %arg14[%dma_wait3A_59, %dma_wait3A_60] : memref<10112x64xf32, #tpu.memory_space<vmem_shared>> -> memref<10112x64xf32, #tpu.memory_space<vmem_shared>>
        tpu.wait_indirect_dma semaphore(%run_scoped3A_55 : memref<!tpu.dma_semaphore, #tpu.memory_space<semaphore_mem>>) src(%arg10 : memref<80x64xf32, #tpu.memory_space<vmem>>) dst(%dma_wait3A_61 : memref<10112x64xf32, #tpu.memory_space<vmem_shared>>)
        tpu.yield
      }) : () -> ()
    }
    %scan3A_44 = arith.constant 125 : i32
    %barrier3A_45 = arith.constant 0 : index
    tpu.barrier barrier_id(%barrier3A_45)
    %run_scoped3A_46 = arith.constant 1 : i32
    "tpu.region"() ({
      %run_scoped3A_47 = tpu.sem_alloc : memref<!tpu.dma_semaphore, #tpu.memory_space<semaphore_mem>>
      %dma_start3A = arith.constant 0 : i32
      %dma_start3A_48 = tpu.memref_slice %arg6[%arg0, %run_scoped3A_46, %mul3A_16, %dma_start3A] : memref<2x2x10112x64xf32, #tpu.memory_space<hbm>> -> memref<1x1x632x64xf32, #tpu.memory_space<hbm>>
      %dma_start3A_49 = tpu.memref_squeeze %dma_start3A_48 : memref<1x1x632x64xf32, #tpu.memory_space<hbm>> -> memref<632x64xf32, #tpu.memory_space<hbm>>
      %dma_start3A_50 = arith.constant 0 : i32
      %dma_start3A_51 = tpu.memref_slice %arg14[%mul3A_16, %dma_start3A_50] : memref<10112x64xf32, #tpu.memory_space<vmem_shared>> -> memref<632x64xf32, #tpu.memory_space<vmem_shared>>
      tpu.enqueue_dma source(%dma_start3A_51 : memref<632x64xf32, #tpu.memory_space<vmem_shared>>) target(%dma_start3A_49 : memref<632x64xf32, #tpu.memory_space<hbm>>) target_semaphore(%run_scoped3A_47 : memref<!tpu.dma_semaphore, #tpu.memory_space<semaphore_mem>>)
      %dma_wait3A = arith.constant 0 : i32
      %dma_wait3A_52 = tpu.memref_slice %arg6[%arg0, %run_scoped3A_46, %mul3A_16, %dma_wait3A] : memref<2x2x10112x64xf32, #tpu.memory_space<hbm>> -> memref<1x1x632x64xf32, #tpu.memory_space<hbm>>
      %dma_wait3A_53 = tpu.memref_squeeze %dma_wait3A_52 : memref<1x1x632x64xf32, #tpu.memory_space<hbm>> -> memref<632x64xf32, #tpu.memory_space<hbm>>
      %dma_wait3A_54 = arith.constant 0 : i32
      %dma_wait3A_55 = tpu.memref_slice %arg14[%mul3A_16, %dma_wait3A_54] : memref<10112x64xf32, #tpu.memory_space<vmem_shared>> -> memref<632x64xf32, #tpu.memory_space<vmem_shared>>
      tpu.wait_dma2 semaphore(%run_scoped3A_47 : memref<!tpu.dma_semaphore, #tpu.memory_space<semaphore_mem>>) src(%dma_wait3A_55 : memref<632x64xf32, #tpu.memory_space<vmem_shared>>) dst(%dma_wait3A_53 : memref<632x64xf32, #tpu.memory_space<hbm>>)
      tpu.yield
    }) : () -> ()
    return
  }
}

module attributes {stable_mosaic.version = 14 : i64} {
  func.func @_pre_body(%arg0: i32, %arg1: memref<1000x128xf32, #tpu.memory_space<vmem>>, %arg2: memref<128x128xf32, #tpu.memory_space<vmem>>, %arg3: memref<1x128xf32, #tpu.memory_space<vmem>>, %arg4: memref<128x128xf32, #tpu.memory_space<vmem>>, %arg5: memref<128x128xf32, #tpu.memory_space<vmem>>, %arg6: memref<1x128xf32, #tpu.memory_space<vmem>>, %arg7: memref<128x128xf32, #tpu.memory_space<vmem>>, %arg8: memref<1x128xf32, #tpu.memory_space<vmem>>, %arg9: memref<1x128xf32, #tpu.memory_space<vmem>>, %arg10: memref<1x128xf32, #tpu.memory_space<vmem>>, %arg11: memref<1000x128xf32, #tpu.memory_space<vmem>>, %arg12: memref<1000x128xf32, #tpu.memory_space<vmem>>, %arg13: memref<1000x128xf32, #tpu.memory_space<vmem>>) attributes {dimension_semantics = [#tpu.dimension_semantics<arbitrary>], iteration_bounds = array<i64: 10>, scalar_prefetch = 0 : i64, scratch_operands = 0 : i64, tpu.core_type = #tpu.core_type<tc>, window_params = [{transform_indices = @transform_0, window_bounds = array<i64: 1000, 128>}, {pipeline_mode = #tpu.pipeline_mode<synchronous>, transform_indices = @transform_1, window_bounds = array<i64: 128, 128>}, {pipeline_mode = #tpu.pipeline_mode<synchronous>, transform_indices = @transform_2, window_bounds = array<i64: 1, 128>}, {pipeline_mode = #tpu.pipeline_mode<synchronous>, transform_indices = @transform_3, window_bounds = array<i64: 128, 128>}, {pipeline_mode = #tpu.pipeline_mode<synchronous>, transform_indices = @transform_4, window_bounds = array<i64: 128, 128>}, {pipeline_mode = #tpu.pipeline_mode<synchronous>, transform_indices = @transform_5, window_bounds = array<i64: 1, 128>}, {pipeline_mode = #tpu.pipeline_mode<synchronous>, transform_indices = @transform_6, window_bounds = array<i64: 128, 128>}, {pipeline_mode = #tpu.pipeline_mode<synchronous>, transform_indices = @transform_7, window_bounds = array<i64: 1, 128>}, {pipeline_mode = #tpu.pipeline_mode<synchronous>, transform_indices = @transform_8, window_bounds = array<i64: 1, 128>}, {pipeline_mode = #tpu.pipeline_mode<synchronous>, transform_indices = @transform_9, window_bounds = array<i64: 1, 128>}, {transform_indices = @transform_10, window_bounds = array<i64: 1000, 128>}, {transform_indices = @transform_11, window_bounds = array<i64: 1000, 128>}, {transform_indices = @transform_12, window_bounds = array<i64: 1000, 128>}]} {
    %get3A = arith.constant 0 : index
    %get3A_0 = arith.constant 0 : index
    %get3A_1 = vector.load %arg1[%get3A, %get3A_0] : memref<1000x128xf32, #tpu.memory_space<vmem>>, vector<1000x128xf32>
    %get3A_2 = arith.constant 0 : index
    %get3A_3 = arith.constant 0 : index
    %get3A_4 = vector.load %arg2[%get3A_2, %get3A_3] : memref<128x128xf32, #tpu.memory_space<vmem>>, vector<128x128xf32>
    %dot_general3A = arith.constant dense<0.000000e+00> : vector<1000x128xf32>
    %dot_general3A_5 = tpu.matmul %get3A_1, %get3A_4, %dot_general3A {dimension_numbers = #tpu.dot_dimension_numbers<[1], [0], [0], [1], [0, 0, 1, 1], [], []>, transpose_lhs_hint = false} : vector<1000x128xf32>, vector<128x128xf32>, vector<1000x128xf32> -> vector<1000x128xf32>
    %get3A_6 = arith.constant 0 : index
    %get3A_7 = arith.constant 0 : index
    %get3A_8 = vector.load %arg3[%get3A_6, %get3A_7] : memref<1x128xf32, #tpu.memory_space<vmem>>, vector<1x128xf32>
    %add3A = vector.broadcast %get3A_8 : vector<1x128xf32> to vector<1000x128xf32>
    %add3A_9 = arith.addf %dot_general3A_5, %add3A : vector<1000x128xf32>
    %swap3A = arith.constant 0 : index
    %swap3A_10 = arith.constant 0 : index
    %swap3A_11 = vector.load %arg11[%swap3A, %swap3A_10] : memref<1000x128xf32, #tpu.memory_space<vmem>>, vector<1000x128xf32>
    tpu.vector_store %arg11[%swap3A, %swap3A_10], %add3A_9 {strides = array<i32>} : memref<1000x128xf32, #tpu.memory_space<vmem>>, vector<1000x128xf32>,
    %get3A_12 = arith.constant 0 : index
    %get3A_13 = arith.constant 0 : index
    %get3A_14 = vector.load %arg4[%get3A_12, %get3A_13] : memref<128x128xf32, #tpu.memory_space<vmem>>, vector<128x128xf32>
    %dot_general3A_15 = arith.constant dense<0.000000e+00> : vector<1000x128xf32>
    %dot_general3A_16 = tpu.matmul %get3A_1, %get3A_14, %dot_general3A_15 {dimension_numbers = #tpu.dot_dimension_numbers<[1], [0], [0], [1], [0, 0, 1, 1], [], []>, transpose_lhs_hint = false} : vector<1000x128xf32>, vector<128x128xf32>, vector<1000x128xf32> -> vector<1000x128xf32>
    %max3A = arith.constant 0.000000e+00 : f32
    %max3A_17 = vector.broadcast %max3A : f32 to vector<1000x128xf32>
    %max3A_18 = arith.maximumf %dot_general3A_16, %max3A_17 : vector<1000x128xf32>
    %abs3A = math.absf %dot_general3A_16 : vector<1000x128xf32>
    %neg3A = arith.constant 0.000000e+00 : f32
    %neg3A_19 = vector.broadcast %neg3A : f32 to vector<1000x128xf32>
    %neg3A_20 = arith.subf %neg3A_19, %abs3A : vector<1000x128xf32>
    %exp3A = math.exp %neg3A_20 : vector<1000x128xf32>
    %log1p3A = math.log1p %exp3A : vector<1000x128xf32>
    %add3A_21 = arith.addf %max3A_18, %log1p3A : vector<1000x128xf32>
    %swap3A_22 = arith.constant 0 : index
    %swap3A_23 = arith.constant 0 : index
    %swap3A_24 = vector.load %arg12[%swap3A_22, %swap3A_23] : memref<1000x128xf32, #tpu.memory_space<vmem>>, vector<1000x128xf32>
    tpu.vector_store %arg12[%swap3A_22, %swap3A_23], %add3A_21 {strides = array<i32>} : memref<1000x128xf32, #tpu.memory_space<vmem>>, vector<1000x128xf32>,
    %get3A_25 = arith.constant 0 : index
    %get3A_26 = arith.constant 0 : index
    %get3A_27 = vector.load %arg5[%get3A_25, %get3A_26] : memref<128x128xf32, #tpu.memory_space<vmem>>, vector<128x128xf32>
    %dot_general3A_28 = arith.constant dense<0.000000e+00> : vector<1000x128xf32>
    %dot_general3A_29 = tpu.matmul %get3A_1, %get3A_27, %dot_general3A_28 {dimension_numbers = #tpu.dot_dimension_numbers<[1], [0], [0], [1], [0, 0, 1, 1], [], []>, transpose_lhs_hint = false} : vector<1000x128xf32>, vector<128x128xf32>, vector<1000x128xf32> -> vector<1000x128xf32>
    %get3A_30 = arith.constant 0 : index
    %get3A_31 = arith.constant 0 : index
    %get3A_32 = vector.load %arg6[%get3A_30, %get3A_31] : memref<1x128xf32, #tpu.memory_space<vmem>>, vector<1x128xf32>
    %add3A_33 = vector.broadcast %get3A_32 : vector<1x128xf32> to vector<1000x128xf32>
    %add3A_34 = arith.addf %dot_general3A_29, %add3A_33 : vector<1000x128xf32>
    %max3A_35 = arith.constant 0.000000e+00 : f32
    %max3A_36 = vector.broadcast %max3A_35 : f32 to vector<1000x128xf32>
    %max3A_37 = arith.maximumf %add3A_34, %max3A_36 : vector<1000x128xf32>
    %abs3A_38 = math.absf %add3A_34 : vector<1000x128xf32>
    %neg3A_39 = arith.constant 0.000000e+00 : f32
    %neg3A_40 = vector.broadcast %neg3A_39 : f32 to vector<1000x128xf32>
    %neg3A_41 = arith.subf %neg3A_40, %abs3A_38 : vector<1000x128xf32>
    %exp3A_42 = math.exp %neg3A_41 : vector<1000x128xf32>
    %log1p3A_43 = math.log1p %exp3A_42 : vector<1000x128xf32>
    %add3A_44 = arith.addf %max3A_37, %log1p3A_43 : vector<1000x128xf32>
    %get3A_45 = arith.constant 0 : index
    %get3A_46 = arith.constant 0 : index
    %get3A_47 = vector.load %arg7[%get3A_45, %get3A_46] : memref<128x128xf32, #tpu.memory_space<vmem>>, vector<128x128xf32>
    %dot_general3A_48 = arith.constant dense<0.000000e+00> : vector<1000x128xf32>
    %dot_general3A_49 = tpu.matmul %add3A_44, %get3A_47, %dot_general3A_48 {dimension_numbers = #tpu.dot_dimension_numbers<[1], [0], [0], [1], [0, 0, 1, 1], [], []>, transpose_lhs_hint = false} : vector<1000x128xf32>, vector<128x128xf32>, vector<1000x128xf32> -> vector<1000x128xf32>
    %get3A_50 = arith.constant 0 : index
    %get3A_51 = arith.constant 0 : index
    %get3A_52 = vector.load %arg8[%get3A_50, %get3A_51] : memref<1x128xf32, #tpu.memory_space<vmem>>, vector<1x128xf32>
    %add3A_53 = vector.broadcast %get3A_52 : vector<1x128xf32> to vector<1000x128xf32>
    %add3A_54 = arith.addf %dot_general3A_49, %add3A_53 : vector<1000x128xf32>
    %get3A_55 = arith.constant 0 : index
    %get3A_56 = arith.constant 0 : index
    %get3A_57 = vector.load %arg9[%get3A_55, %get3A_56] : memref<1x128xf32, #tpu.memory_space<vmem>>, vector<1x128xf32>
    %get3A_58 = arith.constant 0 : index
    %get3A_59 = arith.constant 0 : index
    %get3A_60 = vector.load %arg10[%get3A_58, %get3A_59] : memref<1x128xf32, #tpu.memory_space<vmem>>, vector<1x128xf32>
    %reduce_sum3A = arith.constant dense<0.000000e+00> : vector<1000xf32>
    %reduce_sum3A_61 = vector.multi_reduction <add>, %add3A_54, %reduce_sum3A [1] : vector<1000x128xf32> to vector<1000xf32>
    %broadcast_in_dim3A = vector.shape_cast %reduce_sum3A_61 : vector<1000xf32> to vector<1000x1xf32>
    %div3A = arith.constant 1.280000e+02 : f32
    %div3A_62 = vector.broadcast %div3A : f32 to vector<1000x1xf32>
    %div3A_63 = arith.divf %broadcast_in_dim3A, %div3A_62 : vector<1000x1xf32>
    %sub3A = vector.broadcast %div3A_63 : vector<1000x1xf32> to vector<1000x128xf32>
    %sub3A_64 = arith.subf %add3A_54, %sub3A : vector<1000x128xf32>
    %mul3A = arith.mulf %sub3A_64, %sub3A_64 : vector<1000x128xf32>
    %reduce_sum3A_65 = arith.constant dense<0.000000e+00> : vector<1000xf32>
    %reduce_sum3A_66 = vector.multi_reduction <add>, %mul3A, %reduce_sum3A_65 [1] : vector<1000x128xf32> to vector<1000xf32>
    %broadcast_in_dim3A_67 = vector.shape_cast %reduce_sum3A_66 : vector<1000xf32> to vector<1000x1xf32>
    %div3A_68 = arith.constant 1.280000e+02 : f32
    %div3A_69 = vector.broadcast %div3A_68 : f32 to vector<1000x1xf32>
    %div3A_70 = arith.divf %broadcast_in_dim3A_67, %div3A_69 : vector<1000x1xf32>
    %add3A_71 = arith.constant 9.99999974E-6 : f32
    %add3A_72 = vector.broadcast %add3A_71 : f32 to vector<1000x1xf32>
    %add3A_73 = arith.addf %div3A_70, %add3A_72 : vector<1000x1xf32>
    %rsqrt3A = math.rsqrt %add3A_73 : vector<1000x1xf32>
    %mul3A_74 = vector.broadcast %rsqrt3A : vector<1000x1xf32> to vector<1000x128xf32>
    %mul3A_75 = arith.mulf %sub3A_64, %mul3A_74 : vector<1000x128xf32>
    %mul3A_76 = vector.broadcast %get3A_57 : vector<1x128xf32> to vector<1000x128xf32>
    %mul3A_77 = arith.mulf %mul3A_75, %mul3A_76 : vector<1000x128xf32>
    %add3A_78 = vector.broadcast %get3A_60 : vector<1x128xf32> to vector<1000x128xf32>
    %add3A_79 = arith.addf %mul3A_77, %add3A_78 : vector<1000x128xf32>
    %swap3A_80 = arith.constant 0 : index
    %swap3A_81 = arith.constant 0 : index
    %swap3A_82 = vector.load %arg13[%swap3A_80, %swap3A_81] : memref<1000x128xf32, #tpu.memory_space<vmem>>, vector<1000x128xf32>
    tpu.vector_store %arg13[%swap3A_80, %swap3A_81], %add3A_79 {strides = array<i32>} : memref<1000x128xf32, #tpu.memory_space<vmem>>, vector<1000x128xf32>,
    return
  }
  func.func @transform_0(%arg0: i32) -> (i32, i32) {
    %c0_i32 = arith.constant 0 : i32
    %c0_i32_0 = arith.constant 0 : i32
    return %arg0, %c0_i32 : i32, i32
  }
  func.func @transform_1(%arg0: i32) -> (i32, i32) {
    %c0_i32 = arith.constant 0 : i32
    %c0_i32_0 = arith.constant 0 : i32
    %c0_i32_1 = arith.constant 0 : i32
    return %c0_i32, %c0_i32_0 : i32, i32
  }
  func.func @transform_2(%arg0: i32) -> (i32, i32) {
    %c0_i32 = arith.constant 0 : i32
    %c0_i32_0 = arith.constant 0 : i32
    %c0_i32_1 = arith.constant 0 : i32
    return %c0_i32, %c0_i32_0 : i32, i32
  }
  func.func @transform_3(%arg0: i32) -> (i32, i32) {
    %c0_i32 = arith.constant 0 : i32
    %c0_i32_0 = arith.constant 0 : i32
    %c0_i32_1 = arith.constant 0 : i32
    return %c0_i32, %c0_i32_0 : i32, i32
  }
  func.func @transform_4(%arg0: i32) -> (i32, i32) {
    %c0_i32 = arith.constant 0 : i32
    %c0_i32_0 = arith.constant 0 : i32
    %c0_i32_1 = arith.constant 0 : i32
    return %c0_i32, %c0_i32_0 : i32, i32
  }
  func.func @transform_5(%arg0: i32) -> (i32, i32) {
    %c0_i32 = arith.constant 0 : i32
    %c0_i32_0 = arith.constant 0 : i32
    %c0_i32_1 = arith.constant 0 : i32
    return %c0_i32, %c0_i32_0 : i32, i32
  }
  func.func @transform_6(%arg0: i32) -> (i32, i32) {
    %c0_i32 = arith.constant 0 : i32
    %c0_i32_0 = arith.constant 0 : i32
    %c0_i32_1 = arith.constant 0 : i32
    return %c0_i32, %c0_i32_0 : i32, i32
  }
  func.func @transform_7(%arg0: i32) -> (i32, i32) {
    %c0_i32 = arith.constant 0 : i32
    %c0_i32_0 = arith.constant 0 : i32
    %c0_i32_1 = arith.constant 0 : i32
    return %c0_i32, %c0_i32_0 : i32, i32
  }
  func.func @transform_8(%arg0: i32) -> (i32, i32) {
    %c0_i32 = arith.constant 0 : i32
    %c0_i32_0 = arith.constant 0 : i32
    %c0_i32_1 = arith.constant 0 : i32
    return %c0_i32, %c0_i32_0 : i32, i32
  }
  func.func @transform_9(%arg0: i32) -> (i32, i32) {
    %c0_i32 = arith.constant 0 : i32
    %c0_i32_0 = arith.constant 0 : i32
    %c0_i32_1 = arith.constant 0 : i32
    return %c0_i32, %c0_i32_0 : i32, i32
  }
  func.func @transform_10(%arg0: i32) -> (i32, i32) {
    %c0_i32 = arith.constant 0 : i32
    %c0_i32_0 = arith.constant 0 : i32
    return %arg0, %c0_i32 : i32, i32
  }
  func.func @transform_11(%arg0: i32) -> (i32, i32) {
    %c0_i32 = arith.constant 0 : i32
    %c0_i32_0 = arith.constant 0 : i32
    return %arg0, %c0_i32 : i32, i32
  }
  func.func @transform_12(%arg0: i32) -> (i32, i32) {
    %c0_i32 = arith.constant 0 : i32
    %c0_i32_0 = arith.constant 0 : i32
    return %arg0, %c0_i32 : i32, i32
  }
}

module attributes {stable_mosaic.version = 14 : i64} {
  func.func @_post_body(%arg0: i32, %arg1: memref<1000x128xf32, #tpu.memory_space<vmem>>, %arg2: memref<1000x128xf32, #tpu.memory_space<vmem>>, %arg3: memref<1000x128xf32, #tpu.memory_space<vmem>>, %arg4: memref<2x2x1000x64xf32, #tpu.memory_space<vmem>>, %arg5: memref<2x1000x16xf32, #tpu.memory_space<vmem>>, %arg6: memref<1000x1xf32, #tpu.memory_space<vmem>>, %arg7: memref<1x128xf32, #tpu.memory_space<vmem>>, %arg8: memref<1x128xf32, #tpu.memory_space<vmem>>, %arg9: memref<1000x128xf32, #tpu.memory_space<vmem>>) attributes {dimension_semantics = [#tpu.dimension_semantics<arbitrary>], iteration_bounds = array<i64: 10>, scalar_prefetch = 0 : i64, scratch_operands = 0 : i64, tpu.core_type = #tpu.core_type<tc>, window_params = [{transform_indices = @transform_0, window_bounds = array<i64: 1000, 128>}, {transform_indices = @transform_1, window_bounds = array<i64: 1000, 128>}, {transform_indices = @transform_2, window_bounds = array<i64: 1000, 128>}, {transform_indices = @transform_3, window_bounds = array<i64: 2, 2, 1000, 64>}, {transform_indices = @transform_4, window_bounds = array<i64: 2, 1000, 16>}, {transform_indices = @transform_5, window_bounds = array<i64: 1000, 1>}, {pipeline_mode = #tpu.pipeline_mode<synchronous>, transform_indices = @transform_6, window_bounds = array<i64: 1, 128>}, {pipeline_mode = #tpu.pipeline_mode<synchronous>, transform_indices = @transform_7, window_bounds = array<i64: 1, 128>}, {transform_indices = @transform_8, window_bounds = array<i64: 1000, 128>}]} {
    %get3A = arith.constant 0 : index
    %get3A_0 = arith.constant 0 : index
    %get3A_1 = vector.load %arg1[%get3A, %get3A_0] : memref<1000x128xf32, #tpu.memory_space<vmem>>, vector<1000x128xf32>
    %get3A_2 = arith.constant 0 : index
    %get3A_3 = arith.constant 0 : index
    %get3A_4 = vector.load %arg2[%get3A_2, %get3A_3] : memref<1000x128xf32, #tpu.memory_space<vmem>>, vector<1000x128xf32>
    %get3A_5 = arith.constant 0 : index
    %get3A_6 = arith.constant 0 : index
    %get3A_7 = arith.constant 0 : index
    %get3A_8 = arith.constant 0 : index
    %get3A_9 = vector.load %arg4[%get3A_5, %get3A_6, %get3A_7, %get3A_8] : memref<2x2x1000x64xf32, #tpu.memory_space<vmem>>, vector<1x1x1000x64xf32>
    %get3A_10 = vector.shape_cast %get3A_9 : vector<1x1x1000x64xf32> to vector<1000x64xf32>
    %get3A_11 = arith.constant 1 : index
    %get3A_12 = arith.constant 0 : index
    %get3A_13 = arith.constant 0 : index
    %get3A_14 = arith.constant 0 : index
    %get3A_15 = vector.load %arg4[%get3A_11, %get3A_12, %get3A_13, %get3A_14] : memref<2x2x1000x64xf32, #tpu.memory_space<vmem>>, vector<1x1x1000x64xf32>
    %get3A_16 = vector.shape_cast %get3A_15 : vector<1x1x1000x64xf32> to vector<1000x64xf32>
    %add3A = arith.addf %get3A_10, %get3A_16 : vector<1000x64xf32>
    %get3A_17 = arith.constant 0 : index
    %get3A_18 = arith.constant 1 : index
    %get3A_19 = arith.constant 0 : index
    %get3A_20 = arith.constant 0 : index
    %get3A_21 = vector.load %arg4[%get3A_17, %get3A_18, %get3A_19, %get3A_20] : memref<2x2x1000x64xf32, #tpu.memory_space<vmem>>, vector<1x1x1000x64xf32>
    %get3A_22 = vector.shape_cast %get3A_21 : vector<1x1x1000x64xf32> to vector<1000x64xf32>
    %get3A_23 = arith.constant 1 : index
    %get3A_24 = arith.constant 1 : index
    %get3A_25 = arith.constant 0 : index
    %get3A_26 = arith.constant 0 : index
    %get3A_27 = vector.load %arg4[%get3A_23, %get3A_24, %get3A_25, %get3A_26] : memref<2x2x1000x64xf32, #tpu.memory_space<vmem>>, vector<1x1x1000x64xf32>
    %get3A_28 = vector.shape_cast %get3A_27 : vector<1x1x1000x64xf32> to vector<1000x64xf32>
    %add3A_29 = arith.addf %get3A_22, %get3A_28 : vector<1000x64xf32>
    %concatenate3A = tpu.concatenate %add3A, %add3A_29 in 1 : vector<1000x64xf32>, vector<1000x64xf32> -> vector<1000x128xf32>
    %get3A_30 = arith.constant 0 : index
    %get3A_31 = arith.constant 0 : index
    %get3A_32 = arith.constant 0 : index
    %get3A_33 = vector.load %arg5[%get3A_30, %get3A_31, %get3A_32] : memref<2x1000x16xf32, #tpu.memory_space<vmem>>, vector<1x1000x1xf32>
    %get3A_34 = vector.shape_cast %get3A_33 : vector<1x1000x1xf32> to vector<1000x1xf32>
    %get3A_35 = arith.constant 1 : index
    %get3A_36 = arith.constant 0 : index
    %get3A_37 = arith.constant 0 : index
    %get3A_38 = vector.load %arg5[%get3A_35, %get3A_36, %get3A_37] : memref<2x1000x16xf32, #tpu.memory_space<vmem>>, vector<1x1000x1xf32>
    %get3A_39 = vector.shape_cast %get3A_38 : vector<1x1000x1xf32> to vector<1000x1xf32>
    %add3A_40 = arith.addf %get3A_34, %get3A_39 : vector<1000x1xf32>
    %mul3A = vector.broadcast %add3A_40 : vector<1000x1xf32> to vector<1000x128xf32>
    %mul3A_41 = arith.mulf %mul3A, %get3A_1 : vector<1000x128xf32>
    %add3A_42 = arith.addf %mul3A_41, %concatenate3A : vector<1000x128xf32>
    %get3A_43 = arith.constant 0 : index
    %get3A_44 = arith.constant 0 : index
    %get3A_45 = vector.load %arg6[%get3A_43, %get3A_44] : memref<1000x1xf32, #tpu.memory_space<vmem>>, vector<1000x1xf32>
    %mul3A_46 = vector.broadcast %get3A_45 : vector<1000x1xf32> to vector<1000x128xf32>
    %mul3A_47 = arith.mulf %get3A_4, %mul3A_46 : vector<1000x128xf32>
    %add3A_48 = arith.constant 1.000000e+00 : f32
    %add3A_49 = vector.broadcast %add3A_48 : f32 to vector<1000x128xf32>
    %add3A_50 = arith.addf %add3A_49, %mul3A_47 : vector<1000x128xf32>
    %add3A_51 = arith.constant 9.99999974E-5 : f32
    %add3A_52 = vector.broadcast %add3A_51 : f32 to vector<1000x128xf32>
    %add3A_53 = arith.addf %add3A_50, %add3A_52 : vector<1000x128xf32>
    %mul3A_54 = arith.mulf %get3A_4, %add3A_42 : vector<1000x128xf32>
    %get3A_55 = arith.constant 0 : index
    %get3A_56 = arith.constant 0 : index
    %get3A_57 = vector.load %arg3[%get3A_55, %get3A_56] : memref<1000x128xf32, #tpu.memory_space<vmem>>, vector<1000x128xf32>
    %add3A_58 = arith.addf %mul3A_54, %get3A_57 : vector<1000x128xf32>
    %div3A = arith.divf %add3A_58, %add3A_53 : vector<1000x128xf32>
    %sub3A = arith.subf %div3A, %get3A_1 : vector<1000x128xf32>
    %get3A_59 = arith.constant 0 : index
    %get3A_60 = arith.constant 0 : index
    %get3A_61 = vector.load %arg7[%get3A_59, %get3A_60] : memref<1x128xf32, #tpu.memory_space<vmem>>, vector<1x128xf32>
    %get3A_62 = arith.constant 0 : index
    %get3A_63 = arith.constant 0 : index
    %get3A_64 = vector.load %arg8[%get3A_62, %get3A_63] : memref<1x128xf32, #tpu.memory_space<vmem>>, vector<1x128xf32>
    %reduce_sum3A = arith.constant dense<0.000000e+00> : vector<1000xf32>
    %reduce_sum3A_65 = vector.multi_reduction <add>, %sub3A, %reduce_sum3A [1] : vector<1000x128xf32> to vector<1000xf32>
    %broadcast_in_dim3A = vector.shape_cast %reduce_sum3A_65 : vector<1000xf32> to vector<1000x1xf32>
    %div3A_66 = arith.constant 1.280000e+02 : f32
    %div3A_67 = vector.broadcast %div3A_66 : f32 to vector<1000x1xf32>
    %div3A_68 = arith.divf %broadcast_in_dim3A, %div3A_67 : vector<1000x1xf32>
    %sub3A_69 = vector.broadcast %div3A_68 : vector<1000x1xf32> to vector<1000x128xf32>
    %sub3A_70 = arith.subf %sub3A, %sub3A_69 : vector<1000x128xf32>
    %mul3A_71 = arith.mulf %sub3A_70, %sub3A_70 : vector<1000x128xf32>
    %reduce_sum3A_72 = arith.constant dense<0.000000e+00> : vector<1000xf32>
    %reduce_sum3A_73 = vector.multi_reduction <add>, %mul3A_71, %reduce_sum3A_72 [1] : vector<1000x128xf32> to vector<1000xf32>
    %broadcast_in_dim3A_74 = vector.shape_cast %reduce_sum3A_73 : vector<1000xf32> to vector<1000x1xf32>
    %div3A_75 = arith.constant 1.280000e+02 : f32
    %div3A_76 = vector.broadcast %div3A_75 : f32 to vector<1000x1xf32>
    %div3A_77 = arith.divf %broadcast_in_dim3A_74, %div3A_76 : vector<1000x1xf32>
    %add3A_78 = arith.constant 9.99999974E-6 : f32
    %add3A_79 = vector.broadcast %add3A_78 : f32 to vector<1000x1xf32>
    %add3A_80 = arith.addf %div3A_77, %add3A_79 : vector<1000x1xf32>
    %rsqrt3A = math.rsqrt %add3A_80 : vector<1000x1xf32>
    %mul3A_81 = vector.broadcast %rsqrt3A : vector<1000x1xf32> to vector<1000x128xf32>
    %mul3A_82 = arith.mulf %sub3A_70, %mul3A_81 : vector<1000x128xf32>
    %mul3A_83 = vector.broadcast %get3A_61 : vector<1x128xf32> to vector<1000x128xf32>
    %mul3A_84 = arith.mulf %mul3A_82, %mul3A_83 : vector<1000x128xf32>
    %add3A_85 = vector.broadcast %get3A_64 : vector<1x128xf32> to vector<1000x128xf32>
    %add3A_86 = arith.addf %mul3A_84, %add3A_85 : vector<1000x128xf32>
    %swap3A = arith.constant 0 : index
    %swap3A_87 = arith.constant 0 : index
    %swap3A_88 = vector.load %arg9[%swap3A, %swap3A_87] : memref<1000x128xf32, #tpu.memory_space<vmem>>, vector<1000x128xf32>
    tpu.vector_store %arg9[%swap3A, %swap3A_87], %add3A_86 {strides = array<i32>} : memref<1000x128xf32, #tpu.memory_space<vmem>>, vector<1000x128xf32>,
    return
  }
  func.func @transform_0(%arg0: i32) -> (i32, i32) {
    %c0_i32 = arith.constant 0 : i32
    %c0_i32_0 = arith.constant 0 : i32
    return %arg0, %c0_i32 : i32, i32
  }
  func.func @transform_1(%arg0: i32) -> (i32, i32) {
    %c0_i32 = arith.constant 0 : i32
    %c0_i32_0 = arith.constant 0 : i32
    return %arg0, %c0_i32 : i32, i32
  }
  func.func @transform_2(%arg0: i32) -> (i32, i32) {
    %c0_i32 = arith.constant 0 : i32
    %c0_i32_0 = arith.constant 0 : i32
    return %arg0, %c0_i32 : i32, i32
  }
  func.func @transform_3(%arg0: i32) -> (i32, i32, i32, i32) {
    %c0_i32 = arith.constant 0 : i32
    %c0_i32_0 = arith.constant 0 : i32
    %c0_i32_1 = arith.constant 0 : i32
    %c0_i32_2 = arith.constant 0 : i32
    return %c0_i32, %c0_i32_0, %arg0, %c0_i32_1 : i32, i32, i32, i32
  }
  func.func @transform_4(%arg0: i32) -> (i32, i32, i32) {
    %c0_i32 = arith.constant 0 : i32
    %c0_i32_0 = arith.constant 0 : i32
    %c0_i32_1 = arith.constant 0 : i32
    return %c0_i32, %arg0, %c0_i32_0 : i32, i32, i32
  }
  func.func @transform_5(%arg0: i32) -> (i32, i32) {
    %c0_i32 = arith.constant 0 : i32
    %c0_i32_0 = arith.constant 0 : i32
    return %arg0, %c0_i32 : i32, i32
  }
  func.func @transform_6(%arg0: i32) -> (i32, i32) {
    %c0_i32 = arith.constant 0 : i32
    %c0_i32_0 = arith.constant 0 : i32
    %c0_i32_1 = arith.constant 0 : i32
    return %c0_i32, %c0_i32_0 : i32, i32
  }
  func.func @transform_7(%arg0: i32) -> (i32, i32) {
    %c0_i32 = arith.constant 0 : i32
    %c0_i32_0 = arith.constant 0 : i32
    %c0_i32_1 = arith.constant 0 : i32
    return %c0_i32, %c0_i32_0 : i32, i32
  }
  func.func @transform_8(%arg0: i32) -> (i32, i32) {
    %c0_i32 = arith.constant 0 : i32
    %c0_i32_0 = arith.constant 0 : i32
    return %arg0, %c0_i32 : i32, i32
  }
}

</mosaic_0001>

<sc_bundles>
// kernel: kernel.5.cloned.1.call-start
scs
__scs_entry_jumppad:
0x0: {  	(pc) =	sbr.rel $0x88, $3  }
0x1: {  	(tag) =	ssettag $0x0;
	lr =	simm.s32 $0x1  }
0x2: {  	[smem:$0x3F93] =	sst lr;
	_ =	strace $0xD0000000  }
0x3: {  	_ = 	snop  }
0x4: {  	_ = 	snop  }
0x5: {  	_ = 	snop  }
0x6: {  	_ = 	snop  }
0x7: {  	_ = 	snop  }
__scs_overlays_trampoline_lowered:
0x8: {  	[smem:$0x3FA2] =	sst s0  }
0x9: {  	[smem:$0x3FA3] =	sst s1  }
0xa: {  	[smem:$0x3FA4] =	sst s2  }
0xb: {  	[smem:$0x3FA5] =	sst s3  }
0xc: {  	[smem:$0x3FA6] =	sst s4  }
0xd: {  	[smem:$0x3FA7] =	sst s5  }
0xe: {  	[smem:$0x3FA8] =	sst s6  }
0xf: {  	[smem:$0x3FA9] =	sst s7  }
0x10: {  	[smem:$0x3FAA] =	sst s8  }
0x11: {  	[smem:$0x3FAB] =	sst s9;
	s0 =	simm.s32 @!p0 $0x0  }
0x12: {  	s1 =	sld [smem:$0x3F91];
	s0 =	simm.s32 @p0 $0x1  }
0x13: {  	[smem:$0x3FAC] =	sst s0;
	s0 =	simm.s32 @!p1 $0x0  }
0x14: {  	s2 =	sld [smem:$0x3F90];
	s0 =	simm.s32 @p1 $0x1  }
0x15: {  	[smem:$0x3FAD] =	sst s0;
	s0 =	simm.s32 @!p2 $0x0  }
0x16: {  	s3 =	sld [smem:$0x3FDB];
	s0 =	simm.s32 @p2 $0x1  }
0x17: {  	s4 =	simm.s32 $0x1BF5;
	[smem:$0x3FAF] =	sst s0  }
0x18: {  	s0 =	sld [smem:$0x3F92];
	_ =	swait.ge [sflag:s4], $0x0  }
0x19: {  	s7 =	sld [smem:$0x3F93]  }
0x1a: {  	s8 =	sadd.s32 $0xFFFFE003, lr  }
0x1b: {  	s9 =	sadd.s32 $0xFFFFFEF7, lr;
	s5 =	simm.s32 $0xFFFFFFFF;
	p2 =	slt.u32 s8, $0xFFFFF086  }
0x1c: {  	p1 =	slt.u32 s9, $0xF7A;
	s5 =	simm.s32 @!p2 $0x0  }
0x1d: {  	s5 =	simm.s32 @p1 $0x1;
	p0 =	seq.s32 s7, s2  }
0x1e: {  	s7 =	smul.u32 @!p0 $0xF7A, s2;
	p2 =	seq.s32 @!p0 s5, $0x0  }
0x1f: {  	s9 =	smul.u32 $0xF7A, s1;
	s8 =	simm.s32 @!p0 $0x1BF5;
	p2 =	por !p2, p0  }
0x20: {  	[sflag:s8] =	ssyncset.s32 @!p0 $0xFFFFF086;
	s6 =	sadd.s32 @!p0 s3, s7;
	s7 =	simm.s32 @!p0 $0x108  }
0x21: {  	s3 =	sadd.s32 s3, s9;
	s6 =	sadd.s32 @!p0 $0x88, s6;
	s7 =	simm.s32 @p2 $0x1082  }
0x22: {  	[simem:s7], [sflag:s8] =	dma.local @!p0 [hbm:s6], $0xF7A  }
0x23: {  	s9 =	sor.u32 $0xD0000000, s2;
	s6 =	simm.s32 $0x108;
	_ =	swait.ge @!p0 [sflag:s8], $0x0  }
0x24: {  	s3 =	sadd.s32 $0x88, s3;
	s6 =	simm.s32 @!p1 $0x1082;
	[sflag:s4] =	ssyncset.s32 $0xFFFFF086  }
0x25: {  	[simem:s6], [sflag:s4] =	dma.local [hbm:s3], $0xF7A  }
0x26: {  	[smem:$0x3F93] =	sst s1;
	(tag) =	ssettag s2;
	_ =	strace s9  }
0x27: {  	s1 =	sld [smem:$0x3FA3]  }
0x28: {  	s2 =	sld [smem:$0x3FA4]  }
0x29: {  	s4 =	sld [smem:$0x3FA6]  }
0x2a: {  	p0 =	seq.s32 s5, $0x0;
	s5 =	sld [smem:$0x3FA7]  }
0x2b: {  	s6 =	sld [smem:$0x3FA8]  }
0x2c: {  	s7 =	sld [smem:$0x3FA9]  }
0x2d: {  	s3 =	simm.s32 $0x108;
	s8 =	sld [smem:$0x3FAA]  }
0x2e: {  	s3 =	simm.s32 @!p0 $0x1082;
	s9 =	sld [smem:$0x3FAB]  }
0x2f: {  	lr =	sadd.s32 s0, s3;
	s0 =	sld [smem:$0x3FA2]  }
0x30: {  	s3 =	sld [smem:$0x3FA5]  }
0x31: {  	[smem:$0x3FAE] =	sst s10  }
0x32: {  	s10 =	sld [smem:$0x3FAC];
	_ =	sdelay $0x3  }
0x33: {  	p0 =	seq.s32 s10, $0x1;
	s10 =	sld [smem:$0x3FAE];
	_ =	sdelay $0x3  }
0x34: {  	[smem:$0x3FAE] =	sst s10  }
0x35: {  	s10 =	sld [smem:$0x3FAD];
	_ =	sdelay $0x3  }
0x36: {  	p1 =	seq.s32 s10, $0x1;
	s10 =	sld [smem:$0x3FAE];
	_ =	sdelay $0x3  }
0x37: {  	[smem:$0x3FAE] =	sst s10  }
0x38: {  	s10 =	sld [smem:$0x3FAF]  }
0x39: {  	_ = 	snop;
	(pc) =	sbr.ind lr, $3  }
0x3a: {  	_ = 	snop  }
0x3b: {  	_ = 	snop  }
0x3c: {  	p2 =	seq.s32 s10, $0x1;
	s10 =	sld [smem:$0x3FAE]  }
0x3d: {  	_ =	shalt  }
0x3e: {  	_ =	shalt  }
0x3f: {  	_ =	shalt  }
0x40: {  	_ =	shalt  }
0x41: {  	_ =	shalt  }
0x42: {  	_ =	shalt  }
0x43: {  	_ =	shalt  }
0x44: {  	_ =	shalt  }
0x45: {  	_ =	shalt  }
0x46: {  	_ =	shalt  }
0x47: {  	_ =	shalt  }
0x48: {  	_ =	shalt  }
0x49: {  	_ =	shalt  }
0x4a: {  	_ =	shalt  }
0x4b: {  	_ =	shalt  }
0x4c: {  	_ =	shalt  }
0x4d: {  	_ =	shalt  }
0x4e: {  	_ =	shalt  }
0x4f: {  	_ =	shalt  }
0x50: {  	_ =	shalt  }
0x51: {  	_ =	shalt  }
0x52: {  	_ =	shalt  }
0x53: {  	_ =	shalt  }
0x54: {  	_ =	shalt  }
0x55: {  	_ =	shalt  }
0x56: {  	_ =	shalt  }
0x57: {  	_ =	shalt  }
0x58: {  	_ =	shalt  }
0x59: {  	_ =	shalt  }
0x5a: {  	_ =	shalt  }
0x5b: {  	_ =	shalt  }
0x5c: {  	_ =	shalt  }
0x5d: {  	_ =	shalt  }
0x5e: {  	_ =	shalt  }
0x5f: {  	_ =	shalt  }
0x60: {  	_ =	shalt  }
0x61: {  	_ =	shalt  }
0x62: {  	_ =	shalt  }
0x63: {  	_ =	shalt  }
0x64: {  	_ =	shalt  }
0x65: {  	_ =	shalt  }
0x66: {  	_ =	shalt  }
0x67: {  	_ =	shalt  }
0x68: {  	_ =	shalt  }
0x69: {  	_ =	shalt  }
0x6a: {  	_ =	shalt  }
0x6b: {  	_ =	shalt  }
0x6c: {  	_ =	shalt  }
0x6d: {  	_ =	shalt  }
0x6e: {  	_ =	shalt  }
0x6f: {  	_ =	shalt  }
0x70: {  	_ =	shalt  }
0x71: {  	_ =	shalt  }
0x72: {  	_ =	shalt  }
0x73: {  	_ =	shalt  }
0x74: {  	_ =	shalt  }
0x75: {  	_ =	shalt  }
0x76: {  	_ =	shalt  }
0x77: {  	_ =	shalt  }
0x78: {  	_ =	shalt  }
0x79: {  	_ =	shalt  }
0x7a: {  	_ =	shalt  }
0x7b: {  	_ =	shalt  }
0x7c: {  	_ =	shalt  }
0x7d: {  	_ =	shalt  }
0x7e: {  	_ =	shalt  }
0x7f: {  	_ =	shalt  }
0x80: {  	_ =	shalt  }
0x81: {  	_ =	shalt  }
0x82: {  	_ =	shalt  }
0x83: {  	_ =	shalt  }
0x84: {  	_ =	shalt  }
0x85: {  	_ =	shalt  }
0x86: {  	_ =	shalt  }
0x87: {  	_ =	shalt  }
.Lfunc_end0:
.L_simem_size_0:
called_computation_lowered:
.L_overlay_start_0:
0x88: {  	s2 =	sld [smem:$0x3FD9]  }
0x89: {  	s3 =	sld [smem:$0x3FFE];
	_ =	sdelay $0x1  }
0x8a: {  	s1 =	srdreg.scid  }
0x8b: {  	s0 =	sand.u32 $0x1, s1  }
0x8c: {  	s17 =	sshll.u32 s0, $0xA;
	s2 =	sadd.s32 s3, s2  }
0x8d: {  	s2 =	sadd.s32 s2, s17  }
0x8e: {  	[smem:$0x3FBA] =	sst s2  }
0x8f: {  	_ = 	snop  }
0x90: {  	s2 =	sld [smem:$0x3FD0];
	(tm) =	ssettm $0x1  }
0x91: {  	s18 =	sld [smem:$0x3FFB];
	_ =	sdelay $0x3  }
0x92: {  	_ =	strace s18  }
0x93: {  	s3 =	sld [smem:$0x3FFC];
	_ =	sdelay $0x3  }
0x94: {  	_ =	strace s3  }
0x95: {  	s3 =	sld [smem:$0x3FFD];
	_ =	sdelay $0x3  }
0x96: {  	_ =	strace s3  }
0x97: {  	_ =	strace $0x8FFFFFFF  }
0x98: {  	s19 =	sld [smem:$0x3FDB];
	_ =	sdelay $0x1  }
0x99: {  	s4 =	simm.s32 $_scs_section_size  }
0x9a: {  	s5 =	simm.s32 $_size__tile_overlayer_lowered;
	s6 =	simm.s32 $_tile_overlayer_lowered  }
0x9b: {  	s22 =	simm.s32 $0x1BFF;
	s21 =	sshll.u32 s6, $0x1;
	s3 =	sadd.s32 s4, s19  }
0x9c: {  	s7 =	simm.s32 $0x0;
	s20 =	sshll.u32 s5, $0x1;
	s5 =	sadd.s32 s21, s3  }
0x9d: {  	[timem:s7], [sflag:s22] =	dma.local [hbm:s5], s20  }
0x9e: {  	_ =	swait.ge [sflag:s22], s20  }
0x9f: {  	s4 =	ssub.s32 $0x0, s20;
	[sflag:s22] =	ssyncset.done $0x0  }
0xa0: {  	[sflag:s22] =	ssyncadd.s32 s4;
	_ =	sdelay $0x1  }
0xa1: {  	s23 =	simm.s32 $0x1B8B  }
0xa2: {  	_ =	swait.ge [sflag:s23], $0x1  }
0xa3: {  	[sflag:s23] =	ssyncset.done $0x0  }
0xa4: {  	s25 =	simm.s32 $0x1B8E;
	s24 =	sld [smem:$0x3FFE];
	[sflag:s23] =	ssyncadd.s32 $0xFFFFFFFF  }
0xa5: {  	s26 =	simm.s32 $execute0_lowered;
	[smem:$0x3FD2] =	sst s25  }
0xa6: {  	s5 =	sshll.u32 s26, $0x1;
	_ =	strace $0x80000046;
	[dreg:$0x1] =	wrdreg $0xFFFFFFFF  }
0xa7: {  	s28 =	simm.s32 $_size_execute0_lowered;
	s3 =	sadd.s32 s3, s5;
	[dreg:$0x0] =	wrdreg $0x0  }
0xa8: {  	s5 =	sshll.u32 s28, $0x1;
	[dreg:$0x2] =	wrdreg s3  }
0xa9: {  	[dreg:$0x3] =	wrdreg s5  }
0xaa: {  	[dreg:$0x4] =	wrdreg $0xC0  }
0xab: {  	_ =	task [dreg:s7], $0x5FFFF  }
0xac: {  	[dreg:$0x1] =	wrdreg $0xFFFFFFFF  }
0xad: {  	[dreg:$0x0] =	wrdreg $0x60  }
0xae: {  	[dreg:$0x2] =	wrdreg s2  }
0xaf: {  	[dreg:$0x3] =	wrdreg s24  }
0xb0: {  	[dreg:$0x4] =	wrdreg $0x4B000  }
0xb1: {  	[dreg:$0x5] =	wrdreg $0xE9000  }
0xb2: {  	[dreg:$0x6] =	wrdreg $0x9  }
0xb3: {  	_ =	task.clear_ibuf [dreg:s7], $0x7FFFF;
	_ =	strace $0x90000046  }
0xb4: {  	s29 =	simm.s32 $0x9;
	_ =	strace $0x80000048  }
0xb5: {  	_ =	swait.ge [sflag:s29], $0x1  }
0xb6: {  	[sflag:s29] =	ssyncadd.s32 $0xFFFFFFFF  }
0xb7: {  	_ =	strace $0x90000048  }
0xb8: {  	_ =	sfence  }
0xb9: {  	s30 =	sld [smem:$0x0];
	_ =	sdelay $0x2  }
0xba: {  	s31 =	sshll.u32 s1, $0xD;
	s1 =	sshrl.u32 s1, $0x2  }
0xbb: {  	s3 =	sand.u32 $0x4000, s31;
	s1 =	sadd.s32 s1, s30  }
0xbc: {  	s0 =	sor.u32 s3, s0;
	s1 =	sshll.u32 s1, $0x11  }
0xbd: {  	s0 =	sor.u32 s1, s0  }
0xbe: {  	s0 =	sadd.s32 $0x8F2B, s0  }
0xbf: {  	[sflag:s0] =	ssyncadd.remote.s32 $0x1  }
0xc0: {  	_ =	sfence.sel $0xFFFF  }
0xc1: {  	[dreg:$0x0] =	wrdreg $0xFFFFFFFF;
	(pc) =	sbr.abs _section_cstart, $3  }
0xc2: {  	[dreg:$0x1] =	wrdreg $0xFFFFFFFF  }
0xc3: {  	_ =	task.clear_ibuf [dreg:s7], $0x2FFFF;
	_ =	strace $0x9FFFFFFF  }
0xc4: {  	(tm) =	ssettm $0x7FFFFFFF  }
0xc5: {  	_ =	shalt  }
tec
execute0_lowered:
.L_overlay_start_1:
0x0: {  	(tag) =	ssettag $0x1  }
0x1: {  	s0 =	srdreg.scid  }
0x2: {  	s1 =	rddreg [dreg:$0x0];
	s11 =	stileid.u32  }
0x3: {  	s7 =	rddreg [dreg:$0x1];
	s6 =	smul.u32 $0x2710, s11  }
0x4: {  	s3 =	rddreg [dreg:$0x2];
	s12 =	smul.u32 $0x9E00, s11  }
0x5: {  	s4 =	rddreg [dreg:$0x3];
	s10 =	smul.u32 $0x2780, s11  }
0x6: {  	s5 =	simm.s32 $0x0;
	s0 =	sand.u32 $0x1, s0;
	s13 =	smul.u32 $0x27800, s11  }
0x7: {  	s28 =	simm.s32 $0xA0;
	s29 =	simm.s32 $0x1;
	s2 =	smul.u32 $0x27100, s0  }
0x8: {  	s30 =	simm.s32 $0x14A0;
	s31 =	simm.s32 $0x0;
	s8 =	smul.u32 $0x13C000, s0  }
0x9: {  	[smem:$0x7FF] =	sst s5;
	s9 =	smul.u32 $0x27800, s0;
	s0 =	ssub.s32 $0x2, s0  }
0xa: {  	s16 =	smul.u32 $0x278, s11;
	_ =	strace $0x80000047;
	s24 =	sshrl.u32 s0, $0x1  }
0xb: {  	s26 =	sadd.s32 s12, s3;
	s14 =	sshrl.u32 s13, $0x2;
	s15 =	sshrl.u32 s12, $0x2  }
0xc: {  	s17 =	sadd.s32 $0x9E, s16;
	s20 =	sadd.s32 $0x13C, s16;
	s22 =	sadd.s32 $0x1DA, s16  }
0xd: {  	s2 =	sadd.s32 s6, s2;
	s6 =	sadd.s32 $0x1A00, s7;
	s8 =	sadd.s32 s12, s8  }
0xe: {  	s9 =	sadd.s32 s10, s9;
	s0 =	ssub.s32 s0, s24;
	[dreg:$0x6] =	wrdreg s26  }
0xf: {  	s12 =	sadd.s32 s14, s3;
	s13 =	sadd.s32 s15, s4;
	s18 =	sshll.u32 s17, $0x6  }
0x10: {  	s19 =	sshll.u32 s17, $0x4;
	s21 =	sshll.u32 s20, $0x6;
	s23 =	sshll.u32 s20, $0x4  }
0x11: {  	s24 =	sshll.u32 s22, $0x6;
	s26 =	sshll.u32 s22, $0x4;
	s22 =	simm.s32 $0x19A0  }
0x12: {  	s2 =	sshrl.u32 s2, $0x3;
	s8 =	sshrl.u32 s8, $0x3;
	s9 =	sshrl.u32 s9, $0x3  }
0x13: {  	s0 =	smax.u32 s0, $0x1;
	s14 =	sadd.s32 s18, s3;
	s15 =	sadd.s32 s19, s4  }
0x14: {  	s16 =	sadd.s32 s21, s3;
	s17 =	sadd.s32 s23, s4;
	s18 =	sadd.s32 s24, s3  }
0x15: {  	s19 =	sadd.s32 s26, s4;
	s23 =	simm.s32 $0x2;
	s24 =	simm.s32 $0x4120  }
0x16: {  	s26 =	simm.s32 $0x50;
	s2 =	sadd.s32 s2, s7;
	s8 =	sadd.s32 s8, s7  }
0x17: {  	s7 =	sadd.s32 s9, s7;
	[dreg:$0x9] =	wrdreg s0;
	s25 =	sadd.s32 $0x29000, s8  }
0x18: {  	s7 =	sadd.s32 $0x78000, s7;
	s8 =	sadd.s32 $0x3CC00, s8;
	[dreg:$0x5] =	wrdreg s25  }
0x19: {  	s20 =	sadd.s32 $0x15400, s2;
	[dreg:$0x7] =	wrdreg s7;
	s25 =	sadd.s32 s10, s4  }
0x1a: {  	v0 =	vimm.f32 $0.0e+00;
	v1 =	vimm.f32 $1.000000000e+00;
	s21 =	sadd.s32 $0x1F200, s2;
	[dreg:$0x8] =	wrdreg s8;
	s25 =	sshrl.u32 s25, $0x3  }
.LBB2_1:
0x1b: {  	s0 =	simm.s32 $0x19C0;
	s2 =	simm.s32 $0x0  }
.LBB2_2:
0x1c: {  	p0 =	sne.s32 s2, $0x2740  }
.Ltmp0:
0x1d: {  	[tilespmem:s0+$0xFFFFFFE0] =	vst v0;
	(pc) =	sbr.rel @p0 .LBB2_2-.Ltmp0, $4  }
0x1e: {  	[tilespmem:s0+$0xFFFFFFF0] =	vst v0  }
0x1f: {  	[tilespmem:s0+$0x0] =	vst v0  }
0x20: {  	[tilespmem:s0+$0x10] =	vst v0;
	s7 =	sshra.s32 s2, $0x2  }
0x21: {  	s0 =	sadd.s32 $0x40, s0;
	s2 =	sadd.s32 $0x40, s2;
	[tilespmem:s7+$0x4120] =	vst v0  }
0x22: {  	s0 =	simm.s32 $0x40;
	s2 =	simm.s32 $0x0  }
.LBB2_4:
0x23: {  	p0 =	sne.s32 s0, $0x13C0;
	[tilespmem:s2+$0x14A0] =	vst v1;
	s2 =	smov.u32 s0;
	s0 =	sadd.s32 $0x40, s0  }
.Ltmp1:
0x24: {  	(pc) =	sbr.rel @p0 .LBB2_4-.Ltmp1, $2  }
0x25: {  	_ =	sdelay $0x2  }
0x26: {  	s2 =	sshra.s32 s2, $0x2  }
0x27: {  	[tilespmem:s2+$0x14A0] =	vst v1  }
0x28: {  	[spmem:s12] =	stream.linear.scatter [tilespmem:s22], [sflag:$0x2], $0x2780, $0x38;
	[tilespmem:$0x11080] =	vst v63  }
0x29: {  	_ =	swait.ge [sflag:s23], $0x2780  }
0x2a: {  	[sflag:s23] =	ssyncset.done $0x0  }
0x2b: {  	[sflag:s23] =	ssyncadd.s32 $0xFFFFD880  }
0x2c: {  	[spmem:s13] =	stream.linear.scatter [tilespmem:s24], [sflag:$0x2], $0x9E0, $0x38;
	[tilespmem:$0x11080] =	vst v63  }
0x2d: {  	_ =	swait.ge [sflag:s23], $0x9E0  }
0x2e: {  	[sflag:s23] =	ssyncset.done $0x0  }
0x2f: {  	[sflag:s23] =	ssyncadd.s32 $0xFFFFF620  }
0x30: {  	[spmem:s14] =	stream.linear.scatter [tilespmem:s22], [sflag:$0x2], $0x2780, $0x38;
	[tilespmem:$0x11080] =	vst v63  }
0x31: {  	_ =	swait.ge [sflag:s23], $0x2780  }
0x32: {  	[sflag:s23] =	ssyncset.done $0x0  }
0x33: {  	[sflag:s23] =	ssyncadd.s32 $0xFFFFD880  }
0x34: {  	[spmem:s15] =	stream.linear.scatter [tilespmem:s24], [sflag:$0x2], $0x9E0, $0x38;
	[tilespmem:$0x11080] =	vst v63  }
0x35: {  	_ =	swait.ge [sflag:s23], $0x9E0  }
0x36: {  	[sflag:s23] =	ssyncset.done $0x0  }
0x37: {  	[sflag:s23] =	ssyncadd.s32 $0xFFFFF620  }
0x38: {  	[spmem:s16] =	stream.linear.scatter [tilespmem:s22], [sflag:$0x2], $0x2780, $0x38;
	[tilespmem:$0x11080] =	vst v63  }
0x39: {  	_ =	swait.ge [sflag:s23], $0x2780  }
0x3a: {  	[sflag:s23] =	ssyncset.done $0x0  }
0x3b: {  	[sflag:s23] =	ssyncadd.s32 $0xFFFFD880  }
0x3c: {  	[spmem:s17] =	stream.linear.scatter [tilespmem:s24], [sflag:$0x2], $0x9E0, $0x38;
	[tilespmem:$0x11080] =	vst v63  }
0x3d: {  	_ =	swait.ge [sflag:s23], $0x9E0  }
0x3e: {  	[sflag:s23] =	ssyncset.done $0x0  }
0x3f: {  	[sflag:s23] =	ssyncadd.s32 $0xFFFFF620  }
0x40: {  	[spmem:s18] =	stream.linear.scatter [tilespmem:s22], [sflag:$0x2], $0x2780, $0x38;
	[tilespmem:$0x11080] =	vst v63  }
0x41: {  	_ =	swait.ge [sflag:s23], $0x2780  }
0x42: {  	[sflag:s23] =	ssyncset.done $0x0  }
0x43: {  	[sflag:s23] =	ssyncadd.s32 $0xFFFFD880  }
0x44: {  	[spmem:s19] =	stream.linear.scatter [tilespmem:s24], [sflag:$0x2], $0x9E0, $0x38;
	[tilespmem:$0x11080] =	vst v63  }
0x45: {  	_ =	swait.ge [sflag:s23], $0x9E0  }
0x46: {  	[sflag:s23] =	ssyncset.done $0x0  }
0x47: {  	[sflag:s23] =	ssyncadd.s32 $0xFFFFF620  }
0x48: {  	s0 =	sadd.s32 $0x0, s21;
	[bflag:$0x0] =	sbarrier.arrive $0xFFFF  }
0x49: {  	[tilespmem:s5], [sflag:$0x2] =	stream.linear.gather [hbm4b:s0+s5], $0x50, $0x38;
	[tilespmem:$0x11080] =	vst v63  }
0x4a: {  	_ =	swait.ge [sflag:s23], $0x50  }
0x4b: {  	[sflag:s23] =	ssyncset.done $0x0  }
0x4c: {  	s11 =	sadd.s32 $0x0, s20;
	[sflag:s23] =	ssyncadd.s32 $0xFFFFFFB0  }
0x4d: {  	[tilespmem:s26], [sflag:$0x2] =	stream.linear.gather [hbm4b:s11+s5], $0x50, $0x38;
	[tilespmem:$0x11080] =	vst v63  }
0x4e: {  	_ =	swait.ge [sflag:s23], $0x50  }
0x4f: {  	[sflag:s23] =	ssyncset.done $0x0  }
0x50: {  	[sflag:s23] =	ssyncadd.s32 $0xFFFFFFB0  }
0x51: {  	[tilespmem:s28], [sflag:$0x1] =	stream.indirect.gather [hbm4b:s1+s26], $0x40, s26, s26, $0xb8;
	[tilespmem:$0x11080] =	vst v63  }
0x52: {  	_ =	swait.ge [sflag:s29], $0x1400  }
0x53: {  	[sflag:s29] =	ssyncset.done $0x0  }
0x54: {  	[sflag:s29] =	ssyncadd.s32 $0xFFFFEC00  }
0x55: {  	[spmem:s3] =	stream.indirect.scatter.add.f32 [tilespmem:s28], [sflag:$0x2], $0x40, s5, s26, $0xb8;
	[tilespmem:$0x11080] =	vst v63  }
0x56: {  	_ =	swait.ge [sflag:s23], $0x1400  }
0x57: {  	[sflag:s23] =	ssyncset.done $0x0  }
0x58: {  	[sflag:s23] =	ssyncadd.s32 $0xFFFFEC00  }
0x59: {  	[spmem:s4] =	stream.indirect.scatter.add.f32 [tilespmem:s30], [sflag:$0x2], $0x10, s5, s26, $0xb8;
	[tilespmem:$0x11080] =	vst v63  }
0x5a: {  	_ =	swait.ge [sflag:s23], $0x500  }
0x5b: {  	s2 =	simm.s32 $0x14;
	s0 =	simm.s32 $0xA;
	[sflag:s23] =	ssyncset.done $0x0  }
.LBB2_6:
0x5c: {  	s7 =	sadd.s32 s0, s21  }
0x5d: {  	[sflag:s23] =	ssyncadd.s32 $0xFFFFFB00;
	s8 =	smov.u32 s2;
	s9 =	sadd.s32 $0xA, s2  }
0x5e: {  	[tilespmem:s5], [sflag:$0x2] =	stream.linear.gather [hbm4b:s7+s5], $0x50, $0x38;
	[tilespmem:$0x11080] =	vst v63  }
0x5f: {  	p0 =	sne.s32 s2, $0x4D8;
	_ =	swait.ge [sflag:s23], $0x50  }
0x60: {  	[sflag:s23] =	ssyncset.done $0x0  }
0x61: {  	s2 =	sadd.s32 s0, s20;
	s0 =	smov.u32 s8;
	[sflag:s23] =	ssyncadd.s32 $0xFFFFFFB0  }
0x62: {  	[tilespmem:s26], [sflag:$0x2] =	stream.linear.gather [hbm4b:s2+s5], $0x50, $0x38;
	[tilespmem:$0x11080] =	vst v63  }
0x63: {  	_ =	swait.ge [sflag:s23], $0x50  }
0x64: {  	[sflag:s23] =	ssyncset.done $0x0  }
0x65: {  	[sflag:s23] =	ssyncadd.s32 $0xFFFFFFB0  }
0x66: {  	[tilespmem:s28], [sflag:$0x1] =	stream.indirect.gather [hbm4b:s1+s26], $0x40, s26, s26, $0xb8;
	[tilespmem:$0x11080] =	vst v63  }
0x67: {  	_ =	swait.ge [sflag:s29], $0x1400  }
0x68: {  	[sflag:s29] =	ssyncset.done $0x0  }
0x69: {  	[sflag:s29] =	ssyncadd.s32 $0xFFFFEC00  }
0x6a: {  	[spmem:s3] =	stream.indirect.scatter.add.f32 [tilespmem:s28], [sflag:$0x2], $0x40, s5, s26, $0xb8;
	[tilespmem:$0x11080] =	vst v63  }
0x6b: {  	_ =	swait.ge [sflag:s23], $0x1400  }
.Ltmp2:
0x6c: {  	[sflag:s23] =	ssyncset.done $0x0;
	(pc) =	sbr.rel @p0 .LBB2_6-.Ltmp2, $4  }
0x6d: {  	[sflag:s23] =	ssyncadd.s32 $0xFFFFEC00  }
0x6e: {  	[spmem:s4] =	stream.indirect.scatter.add.f32 [tilespmem:s30], [sflag:$0x2], $0x10, s5, s26, $0xb8;
	[tilespmem:$0x11080] =	vst v63  }
0x6f: {  	_ =	swait.ge [sflag:s23], $0x500  }
0x70: {  	s2 =	smov.u32 s9;
	[sflag:s23] =	ssyncset.done $0x0  }
0x71: {  	s2 =	sadd.s32 s0, s21;
	[sflag:s23] =	ssyncadd.s32 $0xFFFFFB00  }
0x72: {  	[tilespmem:s5], [sflag:$0x2] =	stream.linear.gather [hbm4b:s2+s5], $0x50, $0x38;
	[tilespmem:$0x11080] =	vst v63  }
0x73: {  	_ =	swait.ge [sflag:s23], $0x50  }
0x74: {  	[sflag:s23] =	ssyncset.done $0x0  }
0x75: {  	s2 =	sadd.s32 s0, s20;
	[sflag:s23] =	ssyncadd.s32 $0xFFFFFFB0  }
0x76: {  	[tilespmem:s26], [sflag:$0x2] =	stream.linear.gather [hbm4b:s2+s5], $0x50, $0x38;
	[tilespmem:$0x11080] =	vst v63  }
0x77: {  	_ =	swait.ge [sflag:s23], $0x50  }
0x78: {  	[sflag:s23] =	ssyncset.done $0x0  }
0x79: {  	[sflag:s23] =	ssyncadd.s32 $0xFFFFFFB0  }
0x7a: {  	[tilespmem:s28], [sflag:$0x1] =	stream.indirect.gather [hbm4b:s1+s26], $0x40, s26, s26, $0xb8;
	[tilespmem:$0x11080] =	vst v63  }
0x7b: {  	_ =	swait.ge [sflag:s29], $0x1400  }
0x7c: {  	[sflag:s29] =	ssyncset.done $0x0  }
0x7d: {  	[sflag:s29] =	ssyncadd.s32 $0xFFFFEC00  }
0x7e: {  	[spmem:s3] =	stream.indirect.scatter.add.f32 [tilespmem:s28], [sflag:$0x2], $0x40, s5, s26, $0xb8;
	[tilespmem:$0x11080] =	vst v63  }
0x7f: {  	_ =	swait.ge [sflag:s23], $0x1400  }
0x80: {  	[sflag:s23] =	ssyncset.done $0x0  }
0x81: {  	[sflag:s23] =	ssyncadd.s32 $0xFFFFEC00  }
0x82: {  	[spmem:s4] =	stream.indirect.scatter.add.f32 [tilespmem:s30], [sflag:$0x2], $0x10, s5, s26, $0xb8;
	[tilespmem:$0x11080] =	vst v63  }
0x83: {  	_ =	swait.ge [sflag:s23], $0x500  }
0x84: {  	[sflag:s23] =	ssyncset.done $0x0  }
0x85: {  	[sflag:s23] =	ssyncadd.s32 $0xFFFFFB00  }
0x86: {  	s7 =	stileid.u32;
	[bflag:$0x0] =	sbarrier.arrive $0xFFFF  }
0x87: {  	s0 =	sshll.u32 s7, $0x6;
	s8 =	rddreg [dreg:$0x6]  }
0x88: {  	s2 =	sor.u32 $0x1C02, s0;
	s7 =	rddreg [dreg:$0x5];
	s0 =	sshrl.u32 s8, $0x3  }
0x89: {  	[hbm:s7], [sflag:s2] =	dma.local [spmem:s0], $0x13C0  }
0x8a: {  	_ =	swait.ge [sflag:s23], $0x13C0  }
0x8b: {  	[sflag:s23] =	ssyncset.done $0x0  }
0x8c: {  	s9 =	rddreg [dreg:$0x7];
	[sflag:s23] =	ssyncadd.s32 $0xFFFFEC40  }
0x8d: {  	[hbm:s9], [sflag:s2] =	dma.local [spmem:s25], $0x4F0  }
0x8e: {  	_ =	swait.ge [sflag:s23], $0x4F0  }
0x8f: {  	[sflag:s23] =	ssyncset.done $0x0  }
0x90: {  	[sflag:s23] =	ssyncadd.s32 $0xFFFFFB10  }
0x91: {  	[spmem:s12] =	stream.linear.scatter [tilespmem:s22], [sflag:$0x2], $0x2780, $0x38;
	[tilespmem:$0x11080] =	vst v63  }
0x92: {  	_ =	swait.ge [sflag:s23], $0x2780  }
0x93: {  	[sflag:s23] =	ssyncset.done $0x0  }
0x94: {  	[sflag:s23] =	ssyncadd.s32 $0xFFFFD880  }
0x95: {  	[spmem:s14] =	stream.linear.scatter [tilespmem:s22], [sflag:$0x2], $0x2780, $0x38;
	[tilespmem:$0x11080] =	vst v63  }
0x96: {  	_ =	swait.ge [sflag:s23], $0x2780  }
0x97: {  	[sflag:s23] =	ssyncset.done $0x0  }
0x98: {  	[sflag:s23] =	ssyncadd.s32 $0xFFFFD880  }
0x99: {  	[spmem:s16] =	stream.linear.scatter [tilespmem:s22], [sflag:$0x2], $0x2780, $0x38;
	[tilespmem:$0x11080] =	vst v63  }
0x9a: {  	_ =	swait.ge [sflag:s23], $0x2780  }
0x9b: {  	[sflag:s23] =	ssyncset.done $0x0  }
0x9c: {  	[sflag:s23] =	ssyncadd.s32 $0xFFFFD880  }
0x9d: {  	[spmem:s18] =	stream.linear.scatter [tilespmem:s22], [sflag:$0x2], $0x2780, $0x38;
	[tilespmem:$0x11080] =	vst v63  }
0x9e: {  	_ =	swait.ge [sflag:s23], $0x2780  }
0x9f: {  	[sflag:s23] =	ssyncset.done $0x0  }
0xa0: {  	[sflag:s23] =	ssyncadd.s32 $0xFFFFD880  }
0xa1: {  	s10 =	sadd.s32 $0x0, s21;
	[bflag:$0x0] =	sbarrier.arrive $0xFFFF  }
0xa2: {  	[tilespmem:s5], [sflag:$0x2] =	stream.linear.gather [hbm4b:s10+s5], $0x50, $0x38;
	[tilespmem:$0x11080] =	vst v63  }
0xa3: {  	_ =	swait.ge [sflag:s23], $0x50  }
0xa4: {  	[sflag:s23] =	ssyncset.done $0x0  }
0xa5: {  	s11 =	sadd.s32 $0x0, s20;
	[sflag:s23] =	ssyncadd.s32 $0xFFFFFFB0  }
0xa6: {  	[tilespmem:s26], [sflag:$0x2] =	stream.linear.gather [hbm4b:s11+s5], $0x50, $0x38;
	[tilespmem:$0x11080] =	vst v63  }
0xa7: {  	_ =	swait.ge [sflag:s23], $0x50  }
0xa8: {  	[sflag:s23] =	ssyncset.done $0x0  }
0xa9: {  	[sflag:s23] =	ssyncadd.s32 $0xFFFFFFB0  }
0xaa: {  	[tilespmem:s28], [sflag:$0x1] =	stream.indirect.gather [hbm4b:s6+s26], $0x40, s26, s26, $0xb8;
	[tilespmem:$0x11080] =	vst v63  }
0xab: {  	_ =	swait.ge [sflag:s29], $0x1400  }
0xac: {  	[sflag:s29] =	ssyncset.done $0x0  }
0xad: {  	[sflag:s29] =	ssyncadd.s32 $0xFFFFEC00  }
0xae: {  	[spmem:s3] =	stream.indirect.scatter.add.f32 [tilespmem:s28], [sflag:$0x2], $0x40, s5, s26, $0xb8;
	[tilespmem:$0x11080] =	vst v63  }
0xaf: {  	_ =	swait.ge [sflag:s23], $0x1400  }
0xb0: {  	s8 =	simm.s32 $0x14;
	s7 =	simm.s32 $0xA;
	[sflag:s23] =	ssyncset.done $0x0  }
.LBB2_8:
0xb1: {  	s9 =	sadd.s32 s7, s21  }
0xb2: {  	[sflag:s23] =	ssyncadd.s32 $0xFFFFEC00;
	s10 =	smov.u32 s8;
	s11 =	sadd.s32 $0xA, s8  }
0xb3: {  	[tilespmem:s5], [sflag:$0x2] =	stream.linear.gather [hbm4b:s9+s5], $0x50, $0x38;
	[tilespmem:$0x11080] =	vst v63  }
0xb4: {  	p0 =	sne.s32 s8, $0x4D8;
	_ =	swait.ge [sflag:s23], $0x50  }
0xb5: {  	[sflag:s23] =	ssyncset.done $0x0  }
0xb6: {  	s8 =	sadd.s32 s7, s20;
	s7 =	smov.u32 s10;
	[sflag:s23] =	ssyncadd.s32 $0xFFFFFFB0  }
0xb7: {  	[tilespmem:s26], [sflag:$0x2] =	stream.linear.gather [hbm4b:s8+s5], $0x50, $0x38;
	[tilespmem:$0x11080] =	vst v63  }
0xb8: {  	_ =	swait.ge [sflag:s23], $0x50  }
0xb9: {  	[sflag:s23] =	ssyncset.done $0x0  }
0xba: {  	[sflag:s23] =	ssyncadd.s32 $0xFFFFFFB0  }
0xbb: {  	[tilespmem:s28], [sflag:$0x1] =	stream.indirect.gather [hbm4b:s6+s26], $0x40, s26, s26, $0xb8;
	[tilespmem:$0x11080] =	vst v63  }
0xbc: {  	_ =	swait.ge [sflag:s29], $0x1400  }
.Ltmp3:
0xbd: {  	[sflag:s29] =	ssyncset.done $0x0;
	(pc) =	sbr.rel @p0 .LBB2_8-.Ltmp3, $4  }
0xbe: {  	[sflag:s29] =	ssyncadd.s32 $0xFFFFEC00  }
0xbf: {  	[spmem:s3] =	stream.indirect.scatter.add.f32 [tilespmem:s28], [sflag:$0x2], $0x40, s5, s26, $0xb8;
	[tilespmem:$0x11080] =	vst v63  }
0xc0: {  	_ =	swait.ge [sflag:s23], $0x1400  }
0xc1: {  	s8 =	smov.u32 s11;
	[sflag:s23] =	ssyncset.done $0x0  }
0xc2: {  	s8 =	sadd.s32 s7, s21;
	[sflag:s23] =	ssyncadd.s32 $0xFFFFEC00  }
0xc3: {  	[tilespmem:s5], [sflag:$0x2] =	stream.linear.gather [hbm4b:s8+s5], $0x50, $0x38;
	[tilespmem:$0x11080] =	vst v63  }
0xc4: {  	_ =	swait.ge [sflag:s23], $0x50  }
0xc5: {  	[sflag:s23] =	ssyncset.done $0x0  }
0xc6: {  	s9 =	sadd.s32 s7, s20;
	[sflag:s23] =	ssyncadd.s32 $0xFFFFFFB0  }
0xc7: {  	[tilespmem:s26], [sflag:$0x2] =	stream.linear.gather [hbm4b:s9+s5], $0x50, $0x38;
	[tilespmem:$0x11080] =	vst v63  }
0xc8: {  	_ =	swait.ge [sflag:s23], $0x50  }
0xc9: {  	[sflag:s23] =	ssyncset.done $0x0  }
0xca: {  	[sflag:s23] =	ssyncadd.s32 $0xFFFFFFB0  }
0xcb: {  	[tilespmem:s28], [sflag:$0x1] =	stream.indirect.gather [hbm4b:s6+s26], $0x40, s26, s26, $0xb8;
	[tilespmem:$0x11080] =	vst v63  }
0xcc: {  	_ =	swait.ge [sflag:s29], $0x1400  }
0xcd: {  	[sflag:s29] =	ssyncset.done $0x0  }
0xce: {  	[sflag:s29] =	ssyncadd.s32 $0xFFFFEC00  }
0xcf: {  	[spmem:s3] =	stream.indirect.scatter.add.f32 [tilespmem:s28], [sflag:$0x2], $0x40, s5, s26, $0xb8;
	[tilespmem:$0x11080] =	vst v63  }
0xd0: {  	_ =	swait.ge [sflag:s23], $0x1400  }
0xd1: {  	[sflag:s23] =	ssyncset.done $0x0  }
0xd2: {  	[sflag:s23] =	ssyncadd.s32 $0xFFFFEC00  }
0xd3: {  	[bflag:$0x0] =	sbarrier.arrive $0xFFFF  }
0xd4: {  	s10 =	rddreg [dreg:$0x8]  }
0xd5: {  	[hbm:s10], [sflag:s2] =	dma.local [spmem:s0], $0x13C0  }
0xd6: {  	_ =	swait.ge [sflag:s23], $0x13C0  }
0xd7: {  	s31 =	sadd.s32 $0x1, s31;
	s11 =	rddreg [dreg:$0x9]  }
0xd8: {  	p0 =	sne.s32 s31, s11  }
.Ltmp4:
0xd9: {  	_ = 	snop;
	(pc) =	sbr.rel @p0 .LBB2_1-.Ltmp4, $3  }
0xda: {  	_ =	sdelay $0x1  }
0xdb: {  	[sflag:s23] =	ssyncset.done $0x0  }
0xdc: {  	[sflag:s23] =	ssyncadd.s32 $0xFFFFEC40  }
0xdd: {  	_ =	sfence.sel $0x180000  }
0xde: {  	[bflag:$0x0] =	sbarrier.arrive $0xFFFF  }
0xdf: {  	_ =	strace $0x90000047  }
0xe0: {  	s0 =	stileid.u32;
	[bflag:$0x2] =	sbarrier.arrive $0xFFFF  }
0xe1: {  	p0 =	sne.s32 s0, $0x0;
	s0 =	rddreg [dreg:$0x4]  }
0xe2: {  	s0 =	sadd.s32 @!p0 $0x100000, s0  }
0xe3: {  	[sflag:s0] =	ssyncadd.tile.s32 @!p0 $0x1;
	_ =	shalt  }
.Lfunc_end2:
_tile_overlayer_lowered:
.L_overlay_start_2:
0xe4: {  	(tag) =	ssettag $0x2  }
0xe5: {  	s0 =	rddreg [dreg:$0x0];
	s2 =	stileid.u32  }
0xe6: {  	s1 =	rddreg [dreg:$0x1];
	p0 =	sne.s32 s2, $0x0  }
0xe7: {  	s3 =	rddreg [dreg:$0x2];
	[bflag:$0x3] =	sbarrier.arrive $0xFFFF;
	s2 =	simm.s32 @!p0 $0x1C02  }
0xe8: {  	[timem:s3], [sflag:s2] =	dma.local @!p0 [hbm:s0], s1  }
0xe9: {  	s0 =	simm.s32 @!p0 $0x2  }
0xea: {  	_ =	swait.ge @!p0 [sflag:s0], s1  }
0xeb: {  	s1 =	ssub.s32 @!p0 $0x0, s1;
	[sflag:s0] =	ssyncset.done @!p0 $0x0  }
0xec: {  	[sflag:s0] =	ssyncadd.s32 @!p0 s1  }
0xed: {  	[bflag:$0x3] =	sbarrier.arrive $0xFFFF  }
0xee: {  	_ =	shalt  }

</sc_bundles>
